<compile_context>
chip_gen: v7x
topology: tpu7x:2x2x1
jax: 0.10.2.dev20260603
libtpu: 0.0.44.dev20260713+nightly
codegen_flags: <defaults>
</compile_context>

<pallas_src>
import dataclasses
import functools

import jax
import jax.numpy as jnp
from jax import lax
from jax.experimental import pallas as pl
from jax.experimental.pallas import tpu as pltpu
from jax.experimental.pallas import tpu_sc as plsc

_A = 4
_K = 6
_B = 1024
_L = 4096
_NBINS = _A ** _K
_OUT_LEN = _L - _K + 1

_R1 = 16

_NW = 32
_ROWS_PER_WORKER = _B // _NW

_LANES = 16
_TAIL_START = (_OUT_LEN // _LANES) * _LANES
_TAIL_N = _OUT_LEN - _TAIL_START

_RB = 4
_NBATCH = _ROWS_PER_WORKER // _RB


def _shup(x, d, axis):
    return pltpu.roll(x, x.shape[axis] - d, axis)


def _kmer_tc_body(x_ref, o_ref):
    x0 = x_ref[:, 0, :]
    x1 = x_ref[:, 1, :]
    x2 = x_ref[:, 2, :]
    x3 = x_ref[:, 3, :]
    m01 = jnp.maximum(x0, x1)
    b01 = m01 > x0
    m23 = jnp.maximum(x2, x3)
    h = m23 > m01
    i01 = jnp.where(b01, 1, 0)
    i23 = jnp.where(m23 > x2, 3, 2)
    c = jnp.where(h, i23, i01)
    y1 = c * 4 + _shup(c, 1, 1)
    y2 = y1 * 16 + _shup(y1, 2, 1)
    km = y2 * 16 + _shup(y1, 4, 1)
    o_ref[...] = km


def _kmer_tc(xt):
    return pl.pallas_call(
        _kmer_tc_body,
        grid=(_B // _R1,),
        in_specs=[pl.BlockSpec((_R1, _A, _L), lambda i: (i, 0, 0))],
        out_specs=pl.BlockSpec((_R1, _L), lambda i: (i, 0)),
        out_shape=jax.ShapeDtypeStruct((_B, _L), jnp.int32),
        compiler_params=pltpu.CompilerParams(
            dimension_semantics=("parallel",)),
    )(xt)


def _hist_sc(kmers):
    mesh = plsc.VectorSubcoreMesh(core_axis_name="c", subcore_axis_name="s")
    cp = pltpu.CompilerParams()
    if "needs_layout_passes" in pltpu.CompilerParams.__dataclass_fields__:
        cp = dataclasses.replace(cp, needs_layout_passes=False)

    @functools.partial(
        pl.kernel,
        compiler_params=cp,
        out_type=jax.ShapeDtypeStruct((_B, _NBINS), jnp.float32),
        mesh=mesh,
        scratch_types=[
            pltpu.VMEM((_RB, _L), jnp.int32),
            pltpu.VMEM((_RB, _L), jnp.int32),
            pltpu.VMEM((_RB, _NBINS), jnp.float32),
            pltpu.VMEM((_RB, _NBINS), jnp.float32),
            pltpu.SemaphoreType.DMA,
            pltpu.SemaphoreType.DMA,
            pltpu.SemaphoreType.DMA,
            pltpu.SemaphoreType.DMA,
        ],
    )
    def k(kmers_hbm, out_hbm, kb0, kb1, h0, h1, si0, si1, so0, so1):
        wid = lax.axis_index("s") * 2 + lax.axis_index("c")
        base = wid * _ROWS_PER_WORKER
        kbs = (kb0, kb1)
        hs = (h0, h1)
        sis = (si0, si1)
        sos = (so0, so1)
        zeros16 = jnp.zeros((_LANES,), jnp.float32)
        tail_valid = lax.iota(jnp.int32, _LANES) < _TAIL_N

        pltpu.async_copy(kmers_hbm.at[pl.ds(base, _RB)], kb0, si0)
        pltpu.async_copy(kmers_hbm.at[pl.ds(base + _RB, _RB)], kb1, si1)

        @pl.loop(0, _NBATCH, step=2)
        def _batch(bb):
            for p in (0, 1):
                b = bb + p
                row0 = base + b * _RB
                pltpu.make_async_copy(
                    kmers_hbm.at[pl.ds(row0, _RB)], kbs[p], sis[p]).wait()

                @pl.when(b >= 2)
                def _wait_out():
                    pltpu.make_async_copy(
                        hs[p], out_hbm.at[pl.ds(row0 - 2 * _RB, _RB)],
                        sos[p]).wait()

                for r2 in range(_RB):
                    rsplat = jnp.full((_LANES,), r2, jnp.int32)

                    @plsc.parallel_loop(0, _NBINS, _LANES, unroll=8)
                    def _zero(i):
                        hs[p][r2, pl.ds(i, _LANES)] = zeros16

                    @plsc.parallel_loop(0, _TAIL_START, _LANES, unroll=8)
                    def _chunk(i):
                        idx = kbs[p][r2, pl.ds(i, _LANES)]
                        cnt, last = plsc.scan_count(idx)
                        plsc.addupdate_scatter(
                            hs[p], [rsplat, idx],
                            cnt.astype(jnp.float32), mask=last)

                    idx = kbs[p][r2, pl.ds(_TAIL_START, _LANES)]
                    cnt, last = plsc.scan_count(idx, mask=tail_valid)
                    plsc.addupdate_scatter(
                        hs[p], [rsplat, idx],
                        cnt.astype(jnp.float32), mask=last)

                pltpu.async_copy(hs[p], out_hbm.at[pl.ds(row0, _RB)], sos[p])

                @pl.when(b + 2 < _NBATCH)
                def _next_in():
                    pltpu.async_copy(
                        kmers_hbm.at[pl.ds(row0 + 2 * _RB, _RB)],
                        kbs[p], sis[p])

        pltpu.make_async_copy(
            h0, out_hbm.at[pl.ds(base + (_NBATCH - 2) * _RB, _RB)], so0).wait()
        pltpu.make_async_copy(
            h1, out_hbm.at[pl.ds(base + (_NBATCH - 1) * _RB, _RB)], so1).wait()

    return k(kmers)


def kernel(sequence):
    xt = jnp.transpose(sequence, (0, 2, 1))
    kmers = _kmer_tc(xt)
    return _hist_sc(kmers)

# --- scband reference (transcript-rebuilt; emitter-appended) ---
"""Pipeline reference for scband-kmer-36283883717364 (READ-ONLY COPY).

The authoritative reference and input builder live on the scoring server;
editing this copy changes nothing except your own understanding.
"""

import jax, jax.numpy as jnp
import numpy as np

ALPHABET = 4
K = 6


def setup_inputs(seed: int = 0) -> dict:
    key = jax.random.key(seed)
    # one-hot-like logits over DNA alphabet; argmax yields the base index
    sequence = jax.random.normal(key, (1024, 4096, ALPHABET), dtype=jnp.float32)
    return {"sequence": sequence}


def reference(sequence):
    B, L, A = sequence.shape
    k = K
    seq = jnp.argmax(sequence, axis=-1).astype(jnp.int32)  # [B, L]
    out_len = L - k + 1
    # np.convolve(a, v, 'valid') with v[p] = A**p flips the kernel:
    # kmers[i] = sum_p seq[i+p] * A**(k-1-p)
    kmers = jnp.zeros((B, out_len), dtype=jnp.int32)
    for p in range(k):
        kmers = kmers + seq[:, p:p + out_len] * (ALPHABET ** (k - 1 - p))
    nbins = ALPHABET ** k
    rows = jnp.arange(B, dtype=jnp.int32)[:, None]
    # per-row bincount via scatter-add
    vectors = jnp.zeros((B, nbins), dtype=jnp.float32).at[rows, kmers].add(1.0)
    return vectors

if __name__ == "__main__":
    import jax
    _d = setup_inputs()
    print(jax.jit(kernel)(*tuple(_d.values())))

</pallas_src>

<mosaic_0001>
#map = affine_map<(d0, d1) -> (0, 0)>
module attributes {stable_mosaic.version = 14 : i64} {
  func.func @k(%arg0: i32, %arg1: i32, %arg2: memref<1024x4096xi32, #tpu.memory_space<hbm>>, %arg3: memref<1024x4096xf32, #tpu.memory_space<hbm>>, %arg4: memref<4x4096xi32, #tpu.memory_space<vmem>>, %arg5: memref<4x4096xi32, #tpu.memory_space<vmem>>, %arg6: memref<4x4096xf32, #tpu.memory_space<vmem>>, %arg7: memref<4x4096xf32, #tpu.memory_space<vmem>>, %arg8: memref<!tpu.dma_semaphore, #tpu.memory_space<semaphore_mem>>, %arg9: memref<!tpu.dma_semaphore, #tpu.memory_space<semaphore_mem>>, %arg10: memref<!tpu.dma_semaphore, #tpu.memory_space<semaphore_mem>>, %arg11: memref<!tpu.dma_semaphore, #tpu.memory_space<semaphore_mem>>) attributes {dimension_semantics = [#tpu.dimension_semantics<core_parallel>, #tpu.dimension_semantics<subcore_parallel>], iteration_bounds = array<i64: 2, 16>, scalar_prefetch = 0 : i64, scratch_operands = 8 : i64, tpu.core_type = #tpu.core_type<sc_vector_subcore>, window_params = [{transform_indices = #map}, {transform_indices = #map}]} {
    %mul3A = arith.constant 2 : i32
    %mul3A_0 = arith.muli %arg1, %mul3A : i32
    %add3A = arith.addi %mul3A_0, %arg0 : i32
    %mul3A_1 = arith.constant 32 : i32
    %mul3A_2 = arith.muli %add3A, %mul3A_1 : i32
    %broadcast_in_dim3A = arith.constant 0.000000e+00 : f32
    %broadcast_in_dim3A_3 = vector.broadcast %broadcast_in_dim3A : f32 to vector<16xf32>
    %iota3A = tpu.iota {dimensions = array<i32: 0>} : vector<16xi32>
    %lt3A = arith.constant 11 : i32
    %lt3A_4 = vector.broadcast %lt3A : i32 to vector<16xi32>
    %lt3A_5 = arith.cmpi slt, %iota3A, %lt3A_4 : vector<16xi32>
    %dma_start3A = arith.constant 0 : i32
    %dma_start3A_6 = tpu.memref_slice %arg2[%mul3A_2, %dma_start3A] : memref<1024x4096xi32, #tpu.memory_space<hbm>> -> memref<4x4096xi32, #tpu.memory_space<hbm>>
    %dma_start3A_7 = arith.constant 0 : i32
    %dma_start3A_8 = tpu.memref_slice %arg2[%mul3A_2, %dma_start3A_7] : memref<1024x4096xi32, #tpu.memory_space<hbm>> -> memref<4x4096xi32, #tpu.memory_space<hbm>>
    tpu.enqueue_dma source(%dma_start3A_8 : memref<4x4096xi32, #tpu.memory_space<hbm>>) target(%arg4 : memref<4x4096xi32, #tpu.memory_space<vmem>>) target_semaphore(%arg8 : memref<!tpu.dma_semaphore, #tpu.memory_space<semaphore_mem>>)
    %add3A_9 = arith.constant 4 : i32
    %add3A_10 = arith.addi %mul3A_2, %add3A_9 : i32
    %dma_start3A_11 = arith.constant 0 : i32
    %dma_start3A_12 = tpu.memref_slice %arg2[%add3A_10, %dma_start3A_11] : memref<1024x4096xi32, #tpu.memory_space<hbm>> -> memref<4x4096xi32, #tpu.memory_space<hbm>>
    %dma_start3A_13 = arith.constant 0 : i32
    %dma_start3A_14 = tpu.memref_slice %arg2[%add3A_10, %dma_start3A_13] : memref<1024x4096xi32, #tpu.memory_space<hbm>> -> memref<4x4096xi32, #tpu.memory_space<hbm>>
    tpu.enqueue_dma source(%dma_start3A_14 : memref<4x4096xi32, #tpu.memory_space<hbm>>) target(%arg5 : memref<4x4096xi32, #tpu.memory_space<vmem>>) target_semaphore(%arg9 : memref<!tpu.dma_semaphore, #tpu.memory_space<semaphore_mem>>)
    %scan3A = arith.constant 0 : i32
    %scan3A_15 = arith.constant 4 : i32
    %scan3A_16 = arith.addi %scan3A, %scan3A_15 : i32
    %scan3A_17 = arith.constant 1 : i32
    scf.for %scan3A_30 = %scan3A to %scan3A_16 step %scan3A_17  : i32 {
      %mul3A_31 = arith.constant 2 : i32
      %mul3A_32 = arith.muli %scan3A_30, %mul3A_31 : i32
      %add3A_33 = arith.constant 0 : i32
      %add3A_34 = arith.addi %add3A_33, %mul3A_32 : i32
      %add3A_35 = arith.constant 0 : i32
      %add3A_36 = arith.addi %add3A_34, %add3A_35 : i32
      %mul3A_37 = arith.constant 4 : i32
      %mul3A_38 = arith.muli %add3A_36, %mul3A_37 : i32
      %add3A_39 = arith.addi %mul3A_2, %mul3A_38 : i32
      %dma_wait3A_40 = arith.constant 0 : i32
      %dma_wait3A_41 = tpu.memref_slice %arg2[%add3A_39, %dma_wait3A_40] : memref<1024x4096xi32, #tpu.memory_space<hbm>> -> memref<4x4096xi32, #tpu.memory_space<hbm>>
      %dma_wait3A_42 = arith.constant 0 : i32
      %dma_wait3A_43 = tpu.memref_slice %arg2[%add3A_39, %dma_wait3A_42] : memref<1024x4096xi32, #tpu.memory_space<hbm>> -> memref<4x4096xi32, #tpu.memory_space<hbm>>
      tpu.wait_dma2 semaphore(%arg8 : memref<!tpu.dma_semaphore, #tpu.memory_space<semaphore_mem>>) src(%dma_wait3A_43 : memref<4x4096xi32, #tpu.memory_space<hbm>>) dst(%arg4 : memref<4x4096xi32, #tpu.memory_space<vmem>>)
      %ge3A = arith.constant 2 : i32
      %ge3A_44 = arith.cmpi sge, %add3A_36, %ge3A : i32
      %convert_element_type3A = arith.extui %ge3A_44 : i1 to i32
      %cond3A = arith.constant 0 : i32
      %cond3A_45 = arith.cmpi ne, %convert_element_type3A, %cond3A : i32
      scf.if %cond3A_45 {
        %sub3A = arith.constant 8 : i32
        %sub3A_199 = arith.subi %add3A_39, %sub3A : i32
        %dma_wait3A_200 = arith.constant 0 : i32
        %dma_wait3A_201 = tpu.memref_slice %arg3[%sub3A_199, %dma_wait3A_200] : memref<1024x4096xf32, #tpu.memory_space<hbm>> -> memref<4x4096xf32, #tpu.memory_space<hbm>>
        %dma_wait3A_202 = arith.constant 0 : i32
        %dma_wait3A_203 = tpu.memref_slice %arg3[%sub3A_199, %dma_wait3A_202] : memref<1024x4096xf32, #tpu.memory_space<hbm>> -> memref<4x4096xf32, #tpu.memory_space<hbm>>
        tpu.wait_dma2 semaphore(%arg10 : memref<!tpu.dma_semaphore, #tpu.memory_space<semaphore_mem>>) src(%arg6 : memref<4x4096xf32, #tpu.memory_space<vmem>>) dst(%dma_wait3A_203 : memref<4x4096xf32, #tpu.memory_space<hbm>>)
      } else {
      }
      %broadcast_in_dim3A_46 = arith.constant 0 : i32
      %broadcast_in_dim3A_47 = vector.broadcast %broadcast_in_dim3A_46 : i32 to vector<16xi32>
      %parallel_loop3A = arith.constant 0 : i32
      %parallel_loop3A_48 = arith.constant 4096 : i32
      %parallel_loop3A_49 = arith.constant 16 : i32
      scf.for %parallel_loop3A_199 = %parallel_loop3A to %parallel_loop3A_48 step %parallel_loop3A_49  : i32 {
        %parallel_loop3A_200 = arith.constant 0 : i32
        %parallel_loop3A_201 = arith.index_cast %parallel_loop3A_200 : i32 to index
        %parallel_loop3A_202 = arith.index_cast %parallel_loop3A_199 : i32 to index
        %parallel_loop3A_203 = tpu.vector_load %arg6[%parallel_loop3A_201, %parallel_loop3A_202] {strides = array<i32>} : memref<4x4096xf32, #tpu.memory_space<vmem>>, vector<16xf32>,
        tpu.vector_store %arg6[%parallel_loop3A_201, %parallel_loop3A_202], %broadcast_in_dim3A_3 {strides = array<i32>} : memref<4x4096xf32, #tpu.memory_space<vmem>>, vector<16xf32>,
      } {sc.loop_unroll_factor = 8 : i64, sc.parallel_access}
      %parallel_loop3A_50 = arith.constant 0 : i32
      %parallel_loop3A_51 = arith.constant 4080 : i32
      %parallel_loop3A_52 = arith.constant 16 : i32
      scf.for %parallel_loop3A_199 = %parallel_loop3A_50 to %parallel_loop3A_51 step %parallel_loop3A_52  : i32 {
        %parallel_loop3A_200 = arith.constant 0 : i32
        %parallel_loop3A_201 = arith.index_cast %parallel_loop3A_200 : i32 to index
        %parallel_loop3A_202 = arith.index_cast %parallel_loop3A_199 : i32 to index
        %parallel_loop3A_203 = tpu.vector_load %arg4[%parallel_loop3A_201, %parallel_loop3A_202] {strides = array<i32>} : memref<4x4096xi32, #tpu.memory_space<vmem>>, vector<16xi32>,
        %parallel_loop3A_204 = arith.constant true
        %parallel_loop3A_205 = vector.broadcast %parallel_loop3A_204 : i1 to vector<16xi1>
        %parallel_loop3A_206, %parallel_loop3A_207 = tpu.scan_count mask(%parallel_loop3A_205 : vector<16xi1>) value(%parallel_loop3A_203 : vector<16xi32>) : vector<16xi1>, vector<16xi32>
        %parallel_loop3A_208 = arith.sitofp %parallel_loop3A_207 : vector<16xi32> to vector<16xf32>
        tpu.vector_store_idx %arg6[%broadcast_in_dim3A_47, %parallel_loop3A_203], %parallel_loop3A_208 masked %parallel_loop3A_206 {add = true} : memref<4x4096xf32, #tpu.memory_space<vmem>>[vector<16xi32>, vector<16xi32>], vector<16xf32>, vector<16xi1>
      } {sc.loop_unroll_factor = 8 : i64, sc.parallel_access}
      %get3A = arith.constant 0 : i32
      %get3A_53 = arith.index_cast %get3A : i32 to index
      %get3A_54 = arith.constant 4080 : index
      %get3A_55 = tpu.vector_load %arg4[%get3A_53, %get3A_54] {strides = array<i32>} : memref<4x4096xi32, #tpu.memory_space<vmem>>, vector<16xi32>,
      %unique3A, %unique3A_56 = tpu.scan_count mask(%lt3A_5 : vector<16xi1>) value(%get3A_55 : vector<16xi32>) : vector<16xi1>, vector<16xi32>
      %convert_element_type3A_57 = arith.sitofp %unique3A_56 : vector<16xi32> to vector<16xf32>
      tpu.vector_store_idx %arg6[%broadcast_in_dim3A_47, %get3A_55], %convert_element_type3A_57 masked %unique3A {add = true} : memref<4x4096xf32, #tpu.memory_space<vmem>>[vector<16xi32>, vector<16xi32>], vector<16xf32>, vector<16xi1>
      %broadcast_in_dim3A_58 = arith.constant 1 : i32
      %broadcast_in_dim3A_59 = vector.broadcast %broadcast_in_dim3A_58 : i32 to vector<16xi32>
      %parallel_loop3A_60 = arith.constant 0 : i32
      %parallel_loop3A_61 = arith.constant 4096 : i32
      %parallel_loop3A_62 = arith.constant 16 : i32
      scf.for %parallel_loop3A_199 = %parallel_loop3A_60 to %parallel_loop3A_61 step %parallel_loop3A_62  : i32 {
        %parallel_loop3A_200 = arith.constant 1 : i32
        %parallel_loop3A_201 = arith.index_cast %parallel_loop3A_200 : i32 to index
        %parallel_loop3A_202 = arith.index_cast %parallel_loop3A_199 : i32 to index
        %parallel_loop3A_203 = tpu.vector_load %arg6[%parallel_loop3A_201, %parallel_loop3A_202] {strides = array<i32>} : memref<4x4096xf32, #tpu.memory_space<vmem>>, vector<16xf32>,
        tpu.vector_store %arg6[%parallel_loop3A_201, %parallel_loop3A_202], %broadcast_in_dim3A_3 {strides = array<i32>} : memref<4x4096xf32, #tpu.memory_space<vmem>>, vector<16xf32>,
      } {sc.loop_unroll_factor = 8 : i64, sc.parallel_access}
      %parallel_loop3A_63 = arith.constant 0 : i32
      %parallel_loop3A_64 = arith.constant 4080 : i32
      %parallel_loop3A_65 = arith.constant 16 : i32
      scf.for %parallel_loop3A_199 = %parallel_loop3A_63 to %parallel_loop3A_64 step %parallel_loop3A_65  : i32 {
        %parallel_loop3A_200 = arith.constant 1 : i32
        %parallel_loop3A_201 = arith.index_cast %parallel_loop3A_200 : i32 to index
        %parallel_loop3A_202 = arith.index_cast %parallel_loop3A_199 : i32 to index
        %parallel_loop3A_203 = tpu.vector_load %arg4[%parallel_loop3A_201, %parallel_loop3A_202] {strides = array<i32>} : memref<4x4096xi32, #tpu.memory_space<vmem>>, vector<16xi32>,
        %parallel_loop3A_204 = arith.constant true
        %parallel_loop3A_205 = vector.broadcast %parallel_loop3A_204 : i1 to vector<16xi1>
        %parallel_loop3A_206, %parallel_loop3A_207 = tpu.scan_count mask(%parallel_loop3A_205 : vector<16xi1>) value(%parallel_loop3A_203 : vector<16xi32>) : vector<16xi1>, vector<16xi32>
        %parallel_loop3A_208 = arith.sitofp %parallel_loop3A_207 : vector<16xi32> to vector<16xf32>
        tpu.vector_store_idx %arg6[%broadcast_in_dim3A_59, %parallel_loop3A_203], %parallel_loop3A_208 masked %parallel_loop3A_206 {add = true} : memref<4x4096xf32, #tpu.memory_space<vmem>>[vector<16xi32>, vector<16xi32>], vector<16xf32>, vector<16xi1>
      } {sc.loop_unroll_factor = 8 : i64, sc.parallel_access}
      %get3A_66 = arith.constant 1 : i32
      %get3A_67 = arith.index_cast %get3A_66 : i32 to index
      %get3A_68 = arith.constant 4080 : index
      %get3A_69 = tpu.vector_load %arg4[%get3A_67, %get3A_68] {strides = array<i32>} : memref<4x4096xi32, #tpu.memory_space<vmem>>, vector<16xi32>,
      %unique3A_70, %unique3A_71 = tpu.scan_count mask(%lt3A_5 : vector<16xi1>) value(%get3A_69 : vector<16xi32>) : vector<16xi1>, vector<16xi32>
      %convert_element_type3A_72 = arith.sitofp %unique3A_71 : vector<16xi32> to vector<16xf32>
      tpu.vector_store_idx %arg6[%broadcast_in_dim3A_59, %get3A_69], %convert_element_type3A_72 masked %unique3A_70 {add = true} : memref<4x4096xf32, #tpu.memory_space<vmem>>[vector<16xi32>, vector<16xi32>], vector<16xf32>, vector<16xi1>
      %broadcast_in_dim3A_73 = arith.constant 2 : i32
      %broadcast_in_dim3A_74 = vector.broadcast %broadcast_in_dim3A_73 : i32 to vector<16xi32>
      %parallel_loop3A_75 = arith.constant 0 : i32
      %parallel_loop3A_76 = arith.constant 4096 : i32
      %parallel_loop3A_77 = arith.constant 16 : i32
      scf.for %parallel_loop3A_199 = %parallel_loop3A_75 to %parallel_loop3A_76 step %parallel_loop3A_77  : i32 {
        %parallel_loop3A_200 = arith.constant 2 : i32
        %parallel_loop3A_201 = arith.index_cast %parallel_loop3A_200 : i32 to index
        %parallel_loop3A_202 = arith.index_cast %parallel_loop3A_199 : i32 to index
        %parallel_loop3A_203 = tpu.vector_load %arg6[%parallel_loop3A_201, %parallel_loop3A_202] {strides = array<i32>} : memref<4x4096xf32, #tpu.memory_space<vmem>>, vector<16xf32>,
        tpu.vector_store %arg6[%parallel_loop3A_201, %parallel_loop3A_202], %broadcast_in_dim3A_3 {strides = array<i32>} : memref<4x4096xf32, #tpu.memory_space<vmem>>, vector<16xf32>,
      } {sc.loop_unroll_factor = 8 : i64, sc.parallel_access}
      %parallel_loop3A_78 = arith.constant 0 : i32
      %parallel_loop3A_79 = arith.constant 4080 : i32
      %parallel_loop3A_80 = arith.constant 16 : i32
      scf.for %parallel_loop3A_199 = %parallel_loop3A_78 to %parallel_loop3A_79 step %parallel_loop3A_80  : i32 {
        %parallel_loop3A_200 = arith.constant 2 : i32
        %parallel_loop3A_201 = arith.index_cast %parallel_loop3A_200 : i32 to index
        %parallel_loop3A_202 = arith.index_cast %parallel_loop3A_199 : i32 to index
        %parallel_loop3A_203 = tpu.vector_load %arg4[%parallel_loop3A_201, %parallel_loop3A_202] {strides = array<i32>} : memref<4x4096xi32, #tpu.memory_space<vmem>>, vector<16xi32>,
        %parallel_loop3A_204 = arith.constant true
        %parallel_loop3A_205 = vector.broadcast %parallel_loop3A_204 : i1 to vector<16xi1>
        %parallel_loop3A_206, %parallel_loop3A_207 = tpu.scan_count mask(%parallel_loop3A_205 : vector<16xi1>) value(%parallel_loop3A_203 : vector<16xi32>) : vector<16xi1>, vector<16xi32>
        %parallel_loop3A_208 = arith.sitofp %parallel_loop3A_207 : vector<16xi32> to vector<16xf32>
        tpu.vector_store_idx %arg6[%broadcast_in_dim3A_74, %parallel_loop3A_203], %parallel_loop3A_208 masked %parallel_loop3A_206 {add = true} : memref<4x4096xf32, #tpu.memory_space<vmem>>[vector<16xi32>, vector<16xi32>], vector<16xf32>, vector<16xi1>
      } {sc.loop_unroll_factor = 8 : i64, sc.parallel_access}
      %get3A_81 = arith.constant 2 : i32
      %get3A_82 = arith.index_cast %get3A_81 : i32 to index
      %get3A_83 = arith.constant 4080 : index
      %get3A_84 = tpu.vector_load %arg4[%get3A_82, %get3A_83] {strides = array<i32>} : memref<4x4096xi32, #tpu.memory_space<vmem>>, vector<16xi32>,
      %unique3A_85, %unique3A_86 = tpu.scan_count mask(%lt3A_5 : vector<16xi1>) value(%get3A_84 : vector<16xi32>) : vector<16xi1>, vector<16xi32>
      %convert_element_type3A_87 = arith.sitofp %unique3A_86 : vector<16xi32> to vector<16xf32>
      tpu.vector_store_idx %arg6[%broadcast_in_dim3A_74, %get3A_84], %convert_element_type3A_87 masked %unique3A_85 {add = true} : memref<4x4096xf32, #tpu.memory_space<vmem>>[vector<16xi32>, vector<16xi32>], vector<16xf32>, vector<16xi1>
      %broadcast_in_dim3A_88 = arith.constant 3 : i32
      %broadcast_in_dim3A_89 = vector.broadcast %broadcast_in_dim3A_88 : i32 to vector<16xi32>
      %parallel_loop3A_90 = arith.constant 0 : i32
      %parallel_loop3A_91 = arith.constant 4096 : i32
      %parallel_loop3A_92 = arith.constant 16 : i32
      scf.for %parallel_loop3A_199 = %parallel_loop3A_90 to %parallel_loop3A_91 step %parallel_loop3A_92  : i32 {
        %parallel_loop3A_200 = arith.constant 3 : i32
        %parallel_loop3A_201 = arith.index_cast %parallel_loop3A_200 : i32 to index
        %parallel_loop3A_202 = arith.index_cast %parallel_loop3A_199 : i32 to index
        %parallel_loop3A_203 = tpu.vector_load %arg6[%parallel_loop3A_201, %parallel_loop3A_202] {strides = array<i32>} : memref<4x4096xf32, #tpu.memory_space<vmem>>, vector<16xf32>,
        tpu.vector_store %arg6[%parallel_loop3A_201, %parallel_loop3A_202], %broadcast_in_dim3A_3 {strides = array<i32>} : memref<4x4096xf32, #tpu.memory_space<vmem>>, vector<16xf32>,
      } {sc.loop_unroll_factor = 8 : i64, sc.parallel_access}
      %parallel_loop3A_93 = arith.constant 0 : i32
      %parallel_loop3A_94 = arith.constant 4080 : i32
      %parallel_loop3A_95 = arith.constant 16 : i32
      scf.for %parallel_loop3A_199 = %parallel_loop3A_93 to %parallel_loop3A_94 step %parallel_loop3A_95  : i32 {
        %parallel_loop3A_200 = arith.constant 3 : i32
        %parallel_loop3A_201 = arith.index_cast %parallel_loop3A_200 : i32 to index
        %parallel_loop3A_202 = arith.index_cast %parallel_loop3A_199 : i32 to index
        %parallel_loop3A_203 = tpu.vector_load %arg4[%parallel_loop3A_201, %parallel_loop3A_202] {strides = array<i32>} : memref<4x4096xi32, #tpu.memory_space<vmem>>, vector<16xi32>,
        %parallel_loop3A_204 = arith.constant true
        %parallel_loop3A_205 = vector.broadcast %parallel_loop3A_204 : i1 to vector<16xi1>
        %parallel_loop3A_206, %parallel_loop3A_207 = tpu.scan_count mask(%parallel_loop3A_205 : vector<16xi1>) value(%parallel_loop3A_203 : vector<16xi32>) : vector<16xi1>, vector<16xi32>
        %parallel_loop3A_208 = arith.sitofp %parallel_loop3A_207 : vector<16xi32> to vector<16xf32>
        tpu.vector_store_idx %arg6[%broadcast_in_dim3A_89, %parallel_loop3A_203], %parallel_loop3A_208 masked %parallel_loop3A_206 {add = true} : memref<4x4096xf32, #tpu.memory_space<vmem>>[vector<16xi32>, vector<16xi32>], vector<16xf32>, vector<16xi1>
      } {sc.loop_unroll_factor = 8 : i64, sc.parallel_access}
      %get3A_96 = arith.constant 3 : i32
      %get3A_97 = arith.index_cast %get3A_96 : i32 to index
      %get3A_98 = arith.constant 4080 : index
      %get3A_99 = tpu.vector_load %arg4[%get3A_97, %get3A_98] {strides = array<i32>} : memref<4x4096xi32, #tpu.memory_space<vmem>>, vector<16xi32>,
      %unique3A_100, %unique3A_101 = tpu.scan_count mask(%lt3A_5 : vector<16xi1>) value(%get3A_99 : vector<16xi32>) : vector<16xi1>, vector<16xi32>
      %convert_element_type3A_102 = arith.sitofp %unique3A_101 : vector<16xi32> to vector<16xf32>
      tpu.vector_store_idx %arg6[%broadcast_in_dim3A_89, %get3A_99], %convert_element_type3A_102 masked %unique3A_100 {add = true} : memref<4x4096xf32, #tpu.memory_space<vmem>>[vector<16xi32>, vector<16xi32>], vector<16xf32>, vector<16xi1>
      %dma_start3A_103 = arith.constant 0 : i32
      %dma_start3A_104 = tpu.memref_slice %arg3[%add3A_39, %dma_start3A_103] : memref<1024x4096xf32, #tpu.memory_space<hbm>> -> memref<4x4096xf32, #tpu.memory_space<hbm>>
      %dma_start3A_105 = arith.constant 0 : i32
      %dma_start3A_106 = tpu.memref_slice %arg3[%add3A_39, %dma_start3A_105] : memref<1024x4096xf32, #tpu.memory_space<hbm>> -> memref<4x4096xf32, #tpu.memory_space<hbm>>
      tpu.enqueue_dma source(%arg6 : memref<4x4096xf32, #tpu.memory_space<vmem>>) target(%dma_start3A_106 : memref<4x4096xf32, #tpu.memory_space<hbm>>) target_semaphore(%arg10 : memref<!tpu.dma_semaphore, #tpu.memory_space<semaphore_mem>>)
      %add3A_107 = arith.constant 2 : i32
      %add3A_108 = arith.addi %add3A_36, %add3A_107 : i32
      %lt3A_109 = arith.constant 8 : i32
      %lt3A_110 = arith.cmpi slt, %add3A_108, %lt3A_109 : i32
      %convert_element_type3A_111 = arith.extui %lt3A_110 : i1 to i32
      %cond3A_112 = arith.constant 0 : i32
      %cond3A_113 = arith.cmpi ne, %convert_element_type3A_111, %cond3A_112 : i32
      scf.if %cond3A_113 {
        %add3A_199 = arith.constant 8 : i32
        %add3A_200 = arith.addi %add3A_39, %add3A_199 : i32
        %dma_start3A_201 = arith.constant 0 : i32
        %dma_start3A_202 = tpu.memref_slice %arg2[%add3A_200, %dma_start3A_201] : memref<1024x4096xi32, #tpu.memory_space<hbm>> -> memref<4x4096xi32, #tpu.memory_space<hbm>>
        %dma_start3A_203 = arith.constant 0 : i32
        %dma_start3A_204 = tpu.memref_slice %arg2[%add3A_200, %dma_start3A_203] : memref<1024x4096xi32, #tpu.memory_space<hbm>> -> memref<4x4096xi32, #tpu.memory_space<hbm>>
        tpu.enqueue_dma source(%dma_start3A_204 : memref<4x4096xi32, #tpu.memory_space<hbm>>) target(%arg4 : memref<4x4096xi32, #tpu.memory_space<vmem>>) target_semaphore(%arg8 : memref<!tpu.dma_semaphore, #tpu.memory_space<semaphore_mem>>)
      } else {
      }
      %add3A_114 = arith.constant 1 : i32
      %add3A_115 = arith.addi %add3A_34, %add3A_114 : i32
      %mul3A_116 = arith.constant 4 : i32
      %mul3A_117 = arith.muli %add3A_115, %mul3A_116 : i32
      %add3A_118 = arith.addi %mul3A_2, %mul3A_117 : i32
      %dma_wait3A_119 = arith.constant 0 : i32
      %dma_wait3A_120 = tpu.memref_slice %arg2[%add3A_118, %dma_wait3A_119] : memref<1024x4096xi32, #tpu.memory_space<hbm>> -> memref<4x4096xi32, #tpu.memory_space<hbm>>
      %dma_wait3A_121 = arith.constant 0 : i32
      %dma_wait3A_122 = tpu.memref_slice %arg2[%add3A_118, %dma_wait3A_121] : memref<1024x4096xi32, #tpu.memory_space<hbm>> -> memref<4x4096xi32, #tpu.memory_space<hbm>>
      tpu.wait_dma2 semaphore(%arg9 : memref<!tpu.dma_semaphore, #tpu.memory_space<semaphore_mem>>) src(%dma_wait3A_122 : memref<4x4096xi32, #tpu.memory_space<hbm>>) dst(%arg5 : memref<4x4096xi32, #tpu.memory_space<vmem>>)
      %ge3A_123 = arith.constant 2 : i32
      %ge3A_124 = arith.cmpi sge, %add3A_115, %ge3A_123 : i32
      %convert_element_type3A_125 = arith.extui %ge3A_124 : i1 to i32
      %cond3A_126 = arith.constant 0 : i32
      %cond3A_127 = arith.cmpi ne, %convert_element_type3A_125, %cond3A_126 : i32
      scf.if %cond3A_127 {
        %sub3A = arith.constant 8 : i32
        %sub3A_199 = arith.subi %add3A_118, %sub3A : i32
        %dma_wait3A_200 = arith.constant 0 : i32
        %dma_wait3A_201 = tpu.memref_slice %arg3[%sub3A_199, %dma_wait3A_200] : memref<1024x4096xf32, #tpu.memory_space<hbm>> -> memref<4x4096xf32, #tpu.memory_space<hbm>>
        %dma_wait3A_202 = arith.constant 0 : i32
        %dma_wait3A_203 = tpu.memref_slice %arg3[%sub3A_199, %dma_wait3A_202] : memref<1024x4096xf32, #tpu.memory_space<hbm>> -> memref<4x4096xf32, #tpu.memory_space<hbm>>
        tpu.wait_dma2 semaphore(%arg11 : memref<!tpu.dma_semaphore, #tpu.memory_space<semaphore_mem>>) src(%arg7 : memref<4x4096xf32, #tpu.memory_space<vmem>>) dst(%dma_wait3A_203 : memref<4x4096xf32, #tpu.memory_space<hbm>>)
      } else {
      }
      %broadcast_in_dim3A_128 = arith.constant 0 : i32
      %broadcast_in_dim3A_129 = vector.broadcast %broadcast_in_dim3A_128 : i32 to vector<16xi32>
      %parallel_loop3A_130 = arith.constant 0 : i32
      %parallel_loop3A_131 = arith.constant 4096 : i32
      %parallel_loop3A_132 = arith.constant 16 : i32
      scf.for %parallel_loop3A_199 = %parallel_loop3A_130 to %parallel_loop3A_131 step %parallel_loop3A_132  : i32 {
        %parallel_loop3A_200 = arith.constant 0 : i32
        %parallel_loop3A_201 = arith.index_cast %parallel_loop3A_200 : i32 to index
        %parallel_loop3A_202 = arith.index_cast %parallel_loop3A_199 : i32 to index
        %parallel_loop3A_203 = tpu.vector_load %arg7[%parallel_loop3A_201, %parallel_loop3A_202] {strides = array<i32>} : memref<4x4096xf32, #tpu.memory_space<vmem>>, vector<16xf32>,
        tpu.vector_store %arg7[%parallel_loop3A_201, %parallel_loop3A_202], %broadcast_in_dim3A_3 {strides = array<i32>} : memref<4x4096xf32, #tpu.memory_space<vmem>>, vector<16xf32>,
      } {sc.loop_unroll_factor = 8 : i64, sc.parallel_access}
      %parallel_loop3A_133 = arith.constant 0 : i32
      %parallel_loop3A_134 = arith.constant 4080 : i32
      %parallel_loop3A_135 = arith.constant 16 : i32
      scf.for %parallel_loop3A_199 = %parallel_loop3A_133 to %parallel_loop3A_134 step %parallel_loop3A_135  : i32 {
        %parallel_loop3A_200 = arith.constant 0 : i32
        %parallel_loop3A_201 = arith.index_cast %parallel_loop3A_200 : i32 to index
        %parallel_loop3A_202 = arith.index_cast %parallel_loop3A_199 : i32 to index
        %parallel_loop3A_203 = tpu.vector_load %arg5[%parallel_loop3A_201, %parallel_loop3A_202] {strides = array<i32>} : memref<4x4096xi32, #tpu.memory_space<vmem>>, vector<16xi32>,
        %parallel_loop3A_204 = arith.constant true
        %parallel_loop3A_205 = vector.broadcast %parallel_loop3A_204 : i1 to vector<16xi1>
        %parallel_loop3A_206, %parallel_loop3A_207 = tpu.scan_count mask(%parallel_loop3A_205 : vector<16xi1>) value(%parallel_loop3A_203 : vector<16xi32>) : vector<16xi1>, vector<16xi32>
        %parallel_loop3A_208 = arith.sitofp %parallel_loop3A_207 : vector<16xi32> to vector<16xf32>
        tpu.vector_store_idx %arg7[%broadcast_in_dim3A_129, %parallel_loop3A_203], %parallel_loop3A_208 masked %parallel_loop3A_206 {add = true} : memref<4x4096xf32, #tpu.memory_space<vmem>>[vector<16xi32>, vector<16xi32>], vector<16xf32>, vector<16xi1>
      } {sc.loop_unroll_factor = 8 : i64, sc.parallel_access}
      %get3A_136 = arith.constant 0 : i32
      %get3A_137 = arith.index_cast %get3A_136 : i32 to index
      %get3A_138 = arith.constant 4080 : index
      %get3A_139 = tpu.vector_load %arg5[%get3A_137, %get3A_138] {strides = array<i32>} : memref<4x4096xi32, #tpu.memory_space<vmem>>, vector<16xi32>,
      %unique3A_140, %unique3A_141 = tpu.scan_count mask(%lt3A_5 : vector<16xi1>) value(%get3A_139 : vector<16xi32>) : vector<16xi1>, vector<16xi32>
      %convert_element_type3A_142 = arith.sitofp %unique3A_141 : vector<16xi32> to vector<16xf32>
      tpu.vector_store_idx %arg7[%broadcast_in_dim3A_129, %get3A_139], %convert_element_type3A_142 masked %unique3A_140 {add = true} : memref<4x4096xf32, #tpu.memory_space<vmem>>[vector<16xi32>, vector<16xi32>], vector<16xf32>, vector<16xi1>
      %broadcast_in_dim3A_143 = arith.constant 1 : i32
      %broadcast_in_dim3A_144 = vector.broadcast %broadcast_in_dim3A_143 : i32 to vector<16xi32>
      %parallel_loop3A_145 = arith.constant 0 : i32
      %parallel_loop3A_146 = arith.constant 4096 : i32
      %parallel_loop3A_147 = arith.constant 16 : i32
      scf.for %parallel_loop3A_199 = %parallel_loop3A_145 to %parallel_loop3A_146 step %parallel_loop3A_147  : i32 {
        %parallel_loop3A_200 = arith.constant 1 : i32
        %parallel_loop3A_201 = arith.index_cast %parallel_loop3A_200 : i32 to index
        %parallel_loop3A_202 = arith.index_cast %parallel_loop3A_199 : i32 to index
        %parallel_loop3A_203 = tpu.vector_load %arg7[%parallel_loop3A_201, %parallel_loop3A_202] {strides = array<i32>} : memref<4x4096xf32, #tpu.memory_space<vmem>>, vector<16xf32>,
        tpu.vector_store %arg7[%parallel_loop3A_201, %parallel_loop3A_202], %broadcast_in_dim3A_3 {strides = array<i32>} : memref<4x4096xf32, #tpu.memory_space<vmem>>, vector<16xf32>,
      } {sc.loop_unroll_factor = 8 : i64, sc.parallel_access}
      %parallel_loop3A_148 = arith.constant 0 : i32
      %parallel_loop3A_149 = arith.constant 4080 : i32
      %parallel_loop3A_150 = arith.constant 16 : i32
      scf.for %parallel_loop3A_199 = %parallel_loop3A_148 to %parallel_loop3A_149 step %parallel_loop3A_150  : i32 {
        %parallel_loop3A_200 = arith.constant 1 : i32
        %parallel_loop3A_201 = arith.index_cast %parallel_loop3A_200 : i32 to index
        %parallel_loop3A_202 = arith.index_cast %parallel_loop3A_199 : i32 to index
        %parallel_loop3A_203 = tpu.vector_load %arg5[%parallel_loop3A_201, %parallel_loop3A_202] {strides = array<i32>} : memref<4x4096xi32, #tpu.memory_space<vmem>>, vector<16xi32>,
        %parallel_loop3A_204 = arith.constant true
        %parallel_loop3A_205 = vector.broadcast %parallel_loop3A_204 : i1 to vector<16xi1>
        %parallel_loop3A_206, %parallel_loop3A_207 = tpu.scan_count mask(%parallel_loop3A_205 : vector<16xi1>) value(%parallel_loop3A_203 : vector<16xi32>) : vector<16xi1>, vector<16xi32>
        %parallel_loop3A_208 = arith.sitofp %parallel_loop3A_207 : vector<16xi32> to vector<16xf32>
        tpu.vector_store_idx %arg7[%broadcast_in_dim3A_144, %parallel_loop3A_203], %parallel_loop3A_208 masked %parallel_loop3A_206 {add = true} : memref<4x4096xf32, #tpu.memory_space<vmem>>[vector<16xi32>, vector<16xi32>], vector<16xf32>, vector<16xi1>
      } {sc.loop_unroll_factor = 8 : i64, sc.parallel_access}
      %get3A_151 = arith.constant 1 : i32
      %get3A_152 = arith.index_cast %get3A_151 : i32 to index
      %get3A_153 = arith.constant 4080 : index
      %get3A_154 = tpu.vector_load %arg5[%get3A_152, %get3A_153] {strides = array<i32>} : memref<4x4096xi32, #tpu.memory_space<vmem>>, vector<16xi32>,
      %unique3A_155, %unique3A_156 = tpu.scan_count mask(%lt3A_5 : vector<16xi1>) value(%get3A_154 : vector<16xi32>) : vector<16xi1>, vector<16xi32>
      %convert_element_type3A_157 = arith.sitofp %unique3A_156 : vector<16xi32> to vector<16xf32>
      tpu.vector_store_idx %arg7[%broadcast_in_dim3A_144, %get3A_154], %convert_element_type3A_157 masked %unique3A_155 {add = true} : memref<4x4096xf32, #tpu.memory_space<vmem>>[vector<16xi32>, vector<16xi32>], vector<16xf32>, vector<16xi1>
      %broadcast_in_dim3A_158 = arith.constant 2 : i32
      %broadcast_in_dim3A_159 = vector.broadcast %broadcast_in_dim3A_158 : i32 to vector<16xi32>
      %parallel_loop3A_160 = arith.constant 0 : i32
      %parallel_loop3A_161 = arith.constant 4096 : i32
      %parallel_loop3A_162 = arith.constant 16 : i32
      scf.for %parallel_loop3A_199 = %parallel_loop3A_160 to %parallel_loop3A_161 step %parallel_loop3A_162  : i32 {
        %parallel_loop3A_200 = arith.constant 2 : i32
        %parallel_loop3A_201 = arith.index_cast %parallel_loop3A_200 : i32 to index
        %parallel_loop3A_202 = arith.index_cast %parallel_loop3A_199 : i32 to index
        %parallel_loop3A_203 = tpu.vector_load %arg7[%parallel_loop3A_201, %parallel_loop3A_202] {strides = array<i32>} : memref<4x4096xf32, #tpu.memory_space<vmem>>, vector<16xf32>,
        tpu.vector_store %arg7[%parallel_loop3A_201, %parallel_loop3A_202], %broadcast_in_dim3A_3 {strides = array<i32>} : memref<4x4096xf32, #tpu.memory_space<vmem>>, vector<16xf32>,
      } {sc.loop_unroll_factor = 8 : i64, sc.parallel_access}
      %parallel_loop3A_163 = arith.constant 0 : i32
      %parallel_loop3A_164 = arith.constant 4080 : i32
      %parallel_loop3A_165 = arith.constant 16 : i32
      scf.for %parallel_loop3A_199 = %parallel_loop3A_163 to %parallel_loop3A_164 step %parallel_loop3A_165  : i32 {
        %parallel_loop3A_200 = arith.constant 2 : i32
        %parallel_loop3A_201 = arith.index_cast %parallel_loop3A_200 : i32 to index
        %parallel_loop3A_202 = arith.index_cast %parallel_loop3A_199 : i32 to index
        %parallel_loop3A_203 = tpu.vector_load %arg5[%parallel_loop3A_201, %parallel_loop3A_202] {strides = array<i32>} : memref<4x4096xi32, #tpu.memory_space<vmem>>, vector<16xi32>,
        %parallel_loop3A_204 = arith.constant true
        %parallel_loop3A_205 = vector.broadcast %parallel_loop3A_204 : i1 to vector<16xi1>
        %parallel_loop3A_206, %parallel_loop3A_207 = tpu.scan_count mask(%parallel_loop3A_205 : vector<16xi1>) value(%parallel_loop3A_203 : vector<16xi32>) : vector<16xi1>, vector<16xi32>
        %parallel_loop3A_208 = arith.sitofp %parallel_loop3A_207 : vector<16xi32> to vector<16xf32>
        tpu.vector_store_idx %arg7[%broadcast_in_dim3A_159, %parallel_loop3A_203], %parallel_loop3A_208 masked %parallel_loop3A_206 {add = true} : memref<4x4096xf32, #tpu.memory_space<vmem>>[vector<16xi32>, vector<16xi32>], vector<16xf32>, vector<16xi1>
      } {sc.loop_unroll_factor = 8 : i64, sc.parallel_access}
      %get3A_166 = arith.constant 2 : i32
      %get3A_167 = arith.index_cast %get3A_166 : i32 to index
      %get3A_168 = arith.constant 4080 : index
      %get3A_169 = tpu.vector_load %arg5[%get3A_167, %get3A_168] {strides = array<i32>} : memref<4x4096xi32, #tpu.memory_space<vmem>>, vector<16xi32>,
      %unique3A_170, %unique3A_171 = tpu.scan_count mask(%lt3A_5 : vector<16xi1>) value(%get3A_169 : vector<16xi32>) : vector<16xi1>, vector<16xi32>
      %convert_element_type3A_172 = arith.sitofp %unique3A_171 : vector<16xi32> to vector<16xf32>
      tpu.vector_store_idx %arg7[%broadcast_in_dim3A_159, %get3A_169], %convert_element_type3A_172 masked %unique3A_170 {add = true} : memref<4x4096xf32, #tpu.memory_space<vmem>>[vector<16xi32>, vector<16xi32>], vector<16xf32>, vector<16xi1>
      %broadcast_in_dim3A_173 = arith.constant 3 : i32
      %broadcast_in_dim3A_174 = vector.broadcast %broadcast_in_dim3A_173 : i32 to vector<16xi32>
      %parallel_loop3A_175 = arith.constant 0 : i32
      %parallel_loop3A_176 = arith.constant 4096 : i32
      %parallel_loop3A_177 = arith.constant 16 : i32
      scf.for %parallel_loop3A_199 = %parallel_loop3A_175 to %parallel_loop3A_176 step %parallel_loop3A_177  : i32 {
        %parallel_loop3A_200 = arith.constant 3 : i32
        %parallel_loop3A_201 = arith.index_cast %parallel_loop3A_200 : i32 to index
        %parallel_loop3A_202 = arith.index_cast %parallel_loop3A_199 : i32 to index
        %parallel_loop3A_203 = tpu.vector_load %arg7[%parallel_loop3A_201, %parallel_loop3A_202] {strides = array<i32>} : memref<4x4096xf32, #tpu.memory_space<vmem>>, vector<16xf32>,
        tpu.vector_store %arg7[%parallel_loop3A_201, %parallel_loop3A_202], %broadcast_in_dim3A_3 {strides = array<i32>} : memref<4x4096xf32, #tpu.memory_space<vmem>>, vector<16xf32>,
      } {sc.loop_unroll_factor = 8 : i64, sc.parallel_access}
      %parallel_loop3A_178 = arith.constant 0 : i32
      %parallel_loop3A_179 = arith.constant 4080 : i32
      %parallel_loop3A_180 = arith.constant 16 : i32
      scf.for %parallel_loop3A_199 = %parallel_loop3A_178 to %parallel_loop3A_179 step %parallel_loop3A_180  : i32 {
        %parallel_loop3A_200 = arith.constant 3 : i32
        %parallel_loop3A_201 = arith.index_cast %parallel_loop3A_200 : i32 to index
        %parallel_loop3A_202 = arith.index_cast %parallel_loop3A_199 : i32 to index
        %parallel_loop3A_203 = tpu.vector_load %arg5[%parallel_loop3A_201, %parallel_loop3A_202] {strides = array<i32>} : memref<4x4096xi32, #tpu.memory_space<vmem>>, vector<16xi32>,
        %parallel_loop3A_204 = arith.constant true
        %parallel_loop3A_205 = vector.broadcast %parallel_loop3A_204 : i1 to vector<16xi1>
        %parallel_loop3A_206, %parallel_loop3A_207 = tpu.scan_count mask(%parallel_loop3A_205 : vector<16xi1>) value(%parallel_loop3A_203 : vector<16xi32>) : vector<16xi1>, vector<16xi32>
        %parallel_loop3A_208 = arith.sitofp %parallel_loop3A_207 : vector<16xi32> to vector<16xf32>
        tpu.vector_store_idx %arg7[%broadcast_in_dim3A_174, %parallel_loop3A_203], %parallel_loop3A_208 masked %parallel_loop3A_206 {add = true} : memref<4x4096xf32, #tpu.memory_space<vmem>>[vector<16xi32>, vector<16xi32>], vector<16xf32>, vector<16xi1>
      } {sc.loop_unroll_factor = 8 : i64, sc.parallel_access}
      %get3A_181 = arith.constant 3 : i32
      %get3A_182 = arith.index_cast %get3A_181 : i32 to index
      %get3A_183 = arith.constant 4080 : index
      %get3A_184 = tpu.vector_load %arg5[%get3A_182, %get3A_183] {strides = array<i32>} : memref<4x4096xi32, #tpu.memory_space<vmem>>, vector<16xi32>,
      %unique3A_185, %unique3A_186 = tpu.scan_count mask(%lt3A_5 : vector<16xi1>) value(%get3A_184 : vector<16xi32>) : vector<16xi1>, vector<16xi32>
      %convert_element_type3A_187 = arith.sitofp %unique3A_186 : vector<16xi32> to vector<16xf32>
      tpu.vector_store_idx %arg7[%broadcast_in_dim3A_174, %get3A_184], %convert_element_type3A_187 masked %unique3A_185 {add = true} : memref<4x4096xf32, #tpu.memory_space<vmem>>[vector<16xi32>, vector<16xi32>], vector<16xf32>, vector<16xi1>
      %dma_start3A_188 = arith.constant 0 : i32
      %dma_start3A_189 = tpu.memref_slice %arg3[%add3A_118, %dma_start3A_188] : memref<1024x4096xf32, #tpu.memory_space<hbm>> -> memref<4x4096xf32, #tpu.memory_space<hbm>>
      %dma_start3A_190 = arith.constant 0 : i32
      %dma_start3A_191 = tpu.memref_slice %arg3[%add3A_118, %dma_start3A_190] : memref<1024x4096xf32, #tpu.memory_space<hbm>> -> memref<4x4096xf32, #tpu.memory_space<hbm>>
      tpu.enqueue_dma source(%arg7 : memref<4x4096xf32, #tpu.memory_space<vmem>>) target(%dma_start3A_191 : memref<4x4096xf32, #tpu.memory_space<hbm>>) target_semaphore(%arg11 : memref<!tpu.dma_semaphore, #tpu.memory_space<semaphore_mem>>)
      %add3A_192 = arith.constant 2 : i32
      %add3A_193 = arith.addi %add3A_115, %add3A_192 : i32
      %lt3A_194 = arith.constant 8 : i32
      %lt3A_195 = arith.cmpi slt, %add3A_193, %lt3A_194 : i32
      %convert_element_type3A_196 = arith.extui %lt3A_195 : i1 to i32
      %cond3A_197 = arith.constant 0 : i32
      %cond3A_198 = arith.cmpi ne, %convert_element_type3A_196, %cond3A_197 : i32
      scf.if %cond3A_198 {
        %add3A_199 = arith.constant 8 : i32
        %add3A_200 = arith.addi %add3A_118, %add3A_199 : i32
        %dma_start3A_201 = arith.constant 0 : i32
        %dma_start3A_202 = tpu.memref_slice %arg2[%add3A_200, %dma_start3A_201] : memref<1024x4096xi32, #tpu.memory_space<hbm>> -> memref<4x4096xi32, #tpu.memory_space<hbm>>
        %dma_start3A_203 = arith.constant 0 : i32
        %dma_start3A_204 = tpu.memref_slice %arg2[%add3A_200, %dma_start3A_203] : memref<1024x4096xi32, #tpu.memory_space<hbm>> -> memref<4x4096xi32, #tpu.memory_space<hbm>>
        tpu.enqueue_dma source(%dma_start3A_204 : memref<4x4096xi32, #tpu.memory_space<hbm>>) target(%arg5 : memref<4x4096xi32, #tpu.memory_space<vmem>>) target_semaphore(%arg9 : memref<!tpu.dma_semaphore, #tpu.memory_space<semaphore_mem>>)
      } else {
      }
    }
    %scan3A_18 = arith.constant 4 : i32
    %add3A_19 = arith.constant 24 : i32
    %add3A_20 = arith.addi %mul3A_2, %add3A_19 : i32
    %dma_wait3A = arith.constant 0 : i32
    %dma_wait3A_21 = tpu.memref_slice %arg3[%add3A_20, %dma_wait3A] : memref<1024x4096xf32, #tpu.memory_space<hbm>> -> memref<4x4096xf32, #tpu.memory_space<hbm>>
    %dma_wait3A_22 = arith.constant 0 : i32
    %dma_wait3A_23 = tpu.memref_slice %arg3[%add3A_20, %dma_wait3A_22] : memref<1024x4096xf32, #tpu.memory_space<hbm>> -> memref<4x4096xf32, #tpu.memory_space<hbm>>
    tpu.wait_dma2 semaphore(%arg10 : memref<!tpu.dma_semaphore, #tpu.memory_space<semaphore_mem>>) src(%arg6 : memref<4x4096xf32, #tpu.memory_space<vmem>>) dst(%dma_wait3A_23 : memref<4x4096xf32, #tpu.memory_space<hbm>>)
    %add3A_24 = arith.constant 28 : i32
    %add3A_25 = arith.addi %mul3A_2, %add3A_24 : i32
    %dma_wait3A_26 = arith.constant 0 : i32
    %dma_wait3A_27 = tpu.memref_slice %arg3[%add3A_25, %dma_wait3A_26] : memref<1024x4096xf32, #tpu.memory_space<hbm>> -> memref<4x4096xf32, #tpu.memory_space<hbm>>
    %dma_wait3A_28 = arith.constant 0 : i32
    %dma_wait3A_29 = tpu.memref_slice %arg3[%add3A_25, %dma_wait3A_28] : memref<1024x4096xf32, #tpu.memory_space<hbm>> -> memref<4x4096xf32, #tpu.memory_space<hbm>>
    tpu.wait_dma2 semaphore(%arg11 : memref<!tpu.dma_semaphore, #tpu.memory_space<semaphore_mem>>) src(%arg7 : memref<4x4096xf32, #tpu.memory_space<vmem>>) dst(%dma_wait3A_29 : memref<4x4096xf32, #tpu.memory_space<hbm>>)
    return
  }
}

module attributes {stable_mosaic.version = 14 : i64} {
  func.func @_kmer_tc_body(%arg0: i32, %arg1: memref<16x4x4096xf32, #tpu.memory_space<vmem>>, %arg2: memref<16x4096xi32, #tpu.memory_space<vmem>>) attributes {dimension_semantics = [#tpu.dimension_semantics<parallel>], iteration_bounds = array<i64: 64>, scalar_prefetch = 0 : i64, scratch_operands = 0 : i64, tpu.core_type = #tpu.core_type<tc>, window_params = [{transform_indices = @transform_0, window_bounds = array<i64: 16, 4, 4096>}, {transform_indices = @transform_1, window_bounds = array<i64: 16, 4096>}]} {
    %get3A = arith.constant 0 : index
    %get3A_0 = arith.constant 0 : index
    %get3A_1 = arith.constant 0 : index
    %get3A_2 = vector.load %arg1[%get3A, %get3A_0, %get3A_1] : memref<16x4x4096xf32, #tpu.memory_space<vmem>>, vector<16x1x4096xf32>
    %get3A_3 = vector.shape_cast %get3A_2 : vector<16x1x4096xf32> to vector<16x4096xf32>
    %get3A_4 = arith.constant 0 : index
    %get3A_5 = arith.constant 1 : index
    %get3A_6 = arith.constant 0 : index
    %get3A_7 = vector.load %arg1[%get3A_4, %get3A_5, %get3A_6] : memref<16x4x4096xf32, #tpu.memory_space<vmem>>, vector<16x1x4096xf32>
    %get3A_8 = vector.shape_cast %get3A_7 : vector<16x1x4096xf32> to vector<16x4096xf32>
    %get3A_9 = arith.constant 0 : index
    %get3A_10 = arith.constant 2 : index
    %get3A_11 = arith.constant 0 : index
    %get3A_12 = vector.load %arg1[%get3A_9, %get3A_10, %get3A_11] : memref<16x4x4096xf32, #tpu.memory_space<vmem>>, vector<16x1x4096xf32>
    %get3A_13 = vector.shape_cast %get3A_12 : vector<16x1x4096xf32> to vector<16x4096xf32>
    %get3A_14 = arith.constant 0 : index
    %get3A_15 = arith.constant 3 : index
    %get3A_16 = arith.constant 0 : index
    %get3A_17 = vector.load %arg1[%get3A_14, %get3A_15, %get3A_16] : memref<16x4x4096xf32, #tpu.memory_space<vmem>>, vector<16x1x4096xf32>
    %get3A_18 = vector.shape_cast %get3A_17 : vector<16x1x4096xf32> to vector<16x4096xf32>
    %max3A = arith.maximumf %get3A_3, %get3A_8 : vector<16x4096xf32>
    %gt3A = arith.cmpf ogt, %max3A, %get3A_3 : vector<16x4096xf32>
    %max3A_19 = arith.maximumf %get3A_13, %get3A_18 : vector<16x4096xf32>
    %gt3A_20 = arith.cmpf ogt, %max3A_19, %max3A : vector<16x4096xf32>
    %jit3A = arith.constant 1 : i32
    %jit3A_21 = arith.constant 0 : i32
    %broadcast_in_dim3A = vector.broadcast %jit3A : i32 to vector<16x4096xi32>
    %broadcast_in_dim3A_22 = vector.broadcast %jit3A_21 : i32 to vector<16x4096xi32>
    %select_n3A = arith.select %gt3A, %broadcast_in_dim3A, %broadcast_in_dim3A_22 : vector<16x4096xi1>, vector<16x4096xi32>
    %gt3A_23 = arith.cmpf ogt, %max3A_19, %get3A_13 : vector<16x4096xf32>
    %jit3A_24 = arith.constant 3 : i32
    %jit3A_25 = arith.constant 2 : i32
    %broadcast_in_dim3A_26 = vector.broadcast %jit3A_24 : i32 to vector<16x4096xi32>
    %broadcast_in_dim3A_27 = vector.broadcast %jit3A_25 : i32 to vector<16x4096xi32>
    %select_n3A_28 = arith.select %gt3A_23, %broadcast_in_dim3A_26, %broadcast_in_dim3A_27 : vector<16x4096xi1>, vector<16x4096xi32>
    %select_n3A_29 = arith.select %gt3A_20, %select_n3A_28, %select_n3A : vector<16x4096xi1>, vector<16x4096xi32>
    %mul3A = arith.constant 4 : i32
    %mul3A_30 = vector.broadcast %mul3A : i32 to vector<16x4096xi32>
    %mul3A_31 = arith.muli %select_n3A_29, %mul3A_30 : vector<16x4096xi32>
    %roll3A = arith.constant 4095 : i32
    %roll3A_32 = tpu.dynamic_rotate %select_n3A_29 by %roll3A dim 1 : vector<16x4096xi32>, i32 -> vector<16x4096xi32>
    %add3A = arith.addi %mul3A_31, %roll3A_32 : vector<16x4096xi32>
    %mul3A_33 = arith.constant 16 : i32
    %mul3A_34 = vector.broadcast %mul3A_33 : i32 to vector<16x4096xi32>
    %mul3A_35 = arith.muli %add3A, %mul3A_34 : vector<16x4096xi32>
    %roll3A_36 = arith.constant 4094 : i32
    %roll3A_37 = tpu.dynamic_rotate %add3A by %roll3A_36 dim 1 : vector<16x4096xi32>, i32 -> vector<16x4096xi32>
    %add3A_38 = arith.addi %mul3A_35, %roll3A_37 : vector<16x4096xi32>
    %mul3A_39 = arith.constant 16 : i32
    %mul3A_40 = vector.broadcast %mul3A_39 : i32 to vector<16x4096xi32>
    %mul3A_41 = arith.muli %add3A_38, %mul3A_40 : vector<16x4096xi32>
    %roll3A_42 = arith.constant 4092 : i32
    %roll3A_43 = tpu.dynamic_rotate %add3A by %roll3A_42 dim 1 : vector<16x4096xi32>, i32 -> vector<16x4096xi32>
    %add3A_44 = arith.addi %mul3A_41, %roll3A_43 : vector<16x4096xi32>
    %swap3A = arith.constant 0 : index
    %swap3A_45 = arith.constant 0 : index
    %swap3A_46 = vector.load %arg2[%swap3A, %swap3A_45] : memref<16x4096xi32, #tpu.memory_space<vmem>>, vector<16x4096xi32>
    tpu.vector_store %arg2[%swap3A, %swap3A_45], %add3A_44 {strides = array<i32>} : memref<16x4096xi32, #tpu.memory_space<vmem>>, vector<16x4096xi32>,
    return
  }
  func.func @transform_0(%arg0: i32) -> (i32, i32, i32) {
    %c0_i32 = arith.constant 0 : i32
    %c0_i32_0 = arith.constant 0 : i32
    %c0_i32_1 = arith.constant 0 : i32
    return %arg0, %c0_i32, %c0_i32_0 : i32, i32, i32
  }
  func.func @transform_1(%arg0: i32) -> (i32, i32) {
    %c0_i32 = arith.constant 0 : i32
    %c0_i32_0 = arith.constant 0 : i32
    return %arg0, %c0_i32 : i32, i32
  }
}

</mosaic_0001>

<sc_bundles>
// kernel: kernel.4.cloned.1.call-start
scs
__scs_entry_jumppad:
0x0: {  	(pc) =	sbr.rel $0x88, $3  }
0x1: {  	(tag) =	ssettag $0x0;
	lr =	simm.s32 $0x1  }
0x2: {  	[smem:$0x3FA0] =	sst lr;
	_ =	strace $0xD0000000  }
0x3: {  	_ = 	snop  }
0x4: {  	_ = 	snop  }
0x5: {  	_ = 	snop  }
0x6: {  	_ = 	snop  }
0x7: {  	_ = 	snop  }
__scs_overlays_trampoline_lowered:
0x8: {  	[smem:$0x3FAF] =	sst s0  }
0x9: {  	[smem:$0x3FB0] =	sst s1  }
0xa: {  	[smem:$0x3FB1] =	sst s2  }
0xb: {  	[smem:$0x3FB2] =	sst s3  }
0xc: {  	[smem:$0x3FB3] =	sst s4  }
0xd: {  	[smem:$0x3FB4] =	sst s5  }
0xe: {  	[smem:$0x3FB5] =	sst s6  }
0xf: {  	[smem:$0x3FB6] =	sst s7  }
0x10: {  	[smem:$0x3FB7] =	sst s8  }
0x11: {  	[smem:$0x3FB8] =	sst s9;
	s0 =	simm.s32 @!p0 $0x0  }
0x12: {  	s1 =	sld [smem:$0x3F9E];
	s0 =	simm.s32 @p0 $0x1  }
0x13: {  	[smem:$0x3FB9] =	sst s0;
	s0 =	simm.s32 @!p1 $0x0  }
0x14: {  	s2 =	sld [smem:$0x3F9D];
	s0 =	simm.s32 @p1 $0x1  }
0x15: {  	[smem:$0x3FBA] =	sst s0;
	s0 =	simm.s32 @!p2 $0x0  }
0x16: {  	s3 =	sld [smem:$0x3FDB];
	s0 =	simm.s32 @p2 $0x1  }
0x17: {  	s4 =	simm.s32 $0x1BF5;
	[smem:$0x3FBC] =	sst s0  }
0x18: {  	s0 =	sld [smem:$0x3F9F];
	_ =	swait.ge [sflag:s4], $0x0  }
0x19: {  	s7 =	sld [smem:$0x3FA0]  }
0x1a: {  	s8 =	sadd.s32 $0xFFFFE003, lr  }
0x1b: {  	s9 =	sadd.s32 $0xFFFFFEF7, lr;
	s5 =	simm.s32 $0xFFFFFFFF;
	p2 =	slt.u32 s8, $0xFFFFF086  }
0x1c: {  	p1 =	slt.u32 s9, $0xF7A;
	s5 =	simm.s32 @!p2 $0x0  }
0x1d: {  	s5 =	simm.s32 @p1 $0x1;
	p0 =	seq.s32 s7, s2  }
0x1e: {  	s7 =	smul.u32 @!p0 $0xF7A, s2;
	p2 =	seq.s32 @!p0 s5, $0x0  }
0x1f: {  	s9 =	smul.u32 $0xF7A, s1;
	s8 =	simm.s32 @!p0 $0x1BF5;
	p2 =	por !p2, p0  }
0x20: {  	[sflag:s8] =	ssyncset.s32 @!p0 $0xFFFFF086;
	s6 =	sadd.s32 @!p0 s3, s7;
	s7 =	simm.s32 @!p0 $0x108  }
0x21: {  	s3 =	sadd.s32 s3, s9;
	s6 =	sadd.s32 @!p0 $0x88, s6;
	s7 =	simm.s32 @p2 $0x1082  }
0x22: {  	[simem:s7], [sflag:s8] =	dma.local @!p0 [hbm:s6], $0xF7A  }
0x23: {  	s9 =	sor.u32 $0xD0000000, s2;
	s6 =	simm.s32 $0x108;
	_ =	swait.ge @!p0 [sflag:s8], $0x0  }
0x24: {  	s3 =	sadd.s32 $0x88, s3;
	s6 =	simm.s32 @!p1 $0x1082;
	[sflag:s4] =	ssyncset.s32 $0xFFFFF086  }
0x25: {  	[simem:s6], [sflag:s4] =	dma.local [hbm:s3], $0xF7A  }
0x26: {  	[smem:$0x3FA0] =	sst s1;
	(tag) =	ssettag s2;
	_ =	strace s9  }
0x27: {  	s1 =	sld [smem:$0x3FB0]  }
0x28: {  	s2 =	sld [smem:$0x3FB1]  }
0x29: {  	s4 =	sld [smem:$0x3FB3]  }
0x2a: {  	p0 =	seq.s32 s5, $0x0;
	s5 =	sld [smem:$0x3FB4]  }
0x2b: {  	s6 =	sld [smem:$0x3FB5]  }
0x2c: {  	s7 =	sld [smem:$0x3FB6]  }
0x2d: {  	s3 =	simm.s32 $0x108;
	s8 =	sld [smem:$0x3FB7]  }
0x2e: {  	s3 =	simm.s32 @!p0 $0x1082;
	s9 =	sld [smem:$0x3FB8]  }
0x2f: {  	lr =	sadd.s32 s0, s3;
	s0 =	sld [smem:$0x3FAF]  }
0x30: {  	s3 =	sld [smem:$0x3FB2]  }
0x31: {  	[smem:$0x3FBB] =	sst s10  }
0x32: {  	s10 =	sld [smem:$0x3FB9];
	_ =	sdelay $0x3  }
0x33: {  	p0 =	seq.s32 s10, $0x1;
	s10 =	sld [smem:$0x3FBB];
	_ =	sdelay $0x3  }
0x34: {  	[smem:$0x3FBB] =	sst s10  }
0x35: {  	s10 =	sld [smem:$0x3FBA];
	_ =	sdelay $0x3  }
0x36: {  	p1 =	seq.s32 s10, $0x1;
	s10 =	sld [smem:$0x3FBB];
	_ =	sdelay $0x3  }
0x37: {  	[smem:$0x3FBB] =	sst s10  }
0x38: {  	s10 =	sld [smem:$0x3FBC]  }
0x39: {  	_ = 	snop;
	(pc) =	sbr.ind lr, $3  }
0x3a: {  	_ = 	snop  }
0x3b: {  	_ = 	snop  }
0x3c: {  	p2 =	seq.s32 s10, $0x1;
	s10 =	sld [smem:$0x3FBB]  }
0x3d: {  	_ =	shalt  }
0x3e: {  	_ =	shalt  }
0x3f: {  	_ =	shalt  }
0x40: {  	_ =	shalt  }
0x41: {  	_ =	shalt  }
0x42: {  	_ =	shalt  }
0x43: {  	_ =	shalt  }
0x44: {  	_ =	shalt  }
0x45: {  	_ =	shalt  }
0x46: {  	_ =	shalt  }
0x47: {  	_ =	shalt  }
0x48: {  	_ =	shalt  }
0x49: {  	_ =	shalt  }
0x4a: {  	_ =	shalt  }
0x4b: {  	_ =	shalt  }
0x4c: {  	_ =	shalt  }
0x4d: {  	_ =	shalt  }
0x4e: {  	_ =	shalt  }
0x4f: {  	_ =	shalt  }
0x50: {  	_ =	shalt  }
0x51: {  	_ =	shalt  }
0x52: {  	_ =	shalt  }
0x53: {  	_ =	shalt  }
0x54: {  	_ =	shalt  }
0x55: {  	_ =	shalt  }
0x56: {  	_ =	shalt  }
0x57: {  	_ =	shalt  }
0x58: {  	_ =	shalt  }
0x59: {  	_ =	shalt  }
0x5a: {  	_ =	shalt  }
0x5b: {  	_ =	shalt  }
0x5c: {  	_ =	shalt  }
0x5d: {  	_ =	shalt  }
0x5e: {  	_ =	shalt  }
0x5f: {  	_ =	shalt  }
0x60: {  	_ =	shalt  }
0x61: {  	_ =	shalt  }
0x62: {  	_ =	shalt  }
0x63: {  	_ =	shalt  }
0x64: {  	_ =	shalt  }
0x65: {  	_ =	shalt  }
0x66: {  	_ =	shalt  }
0x67: {  	_ =	shalt  }
0x68: {  	_ =	shalt  }
0x69: {  	_ =	shalt  }
0x6a: {  	_ =	shalt  }
0x6b: {  	_ =	shalt  }
0x6c: {  	_ =	shalt  }
0x6d: {  	_ =	shalt  }
0x6e: {  	_ =	shalt  }
0x6f: {  	_ =	shalt  }
0x70: {  	_ =	shalt  }
0x71: {  	_ =	shalt  }
0x72: {  	_ =	shalt  }
0x73: {  	_ =	shalt  }
0x74: {  	_ =	shalt  }
0x75: {  	_ =	shalt  }
0x76: {  	_ =	shalt  }
0x77: {  	_ =	shalt  }
0x78: {  	_ =	shalt  }
0x79: {  	_ =	shalt  }
0x7a: {  	_ =	shalt  }
0x7b: {  	_ =	shalt  }
0x7c: {  	_ =	shalt  }
0x7d: {  	_ =	shalt  }
0x7e: {  	_ =	shalt  }
0x7f: {  	_ =	shalt  }
0x80: {  	_ =	shalt  }
0x81: {  	_ =	shalt  }
0x82: {  	_ =	shalt  }
0x83: {  	_ =	shalt  }
0x84: {  	_ =	shalt  }
0x85: {  	_ =	shalt  }
0x86: {  	_ =	shalt  }
0x87: {  	_ =	shalt  }
.Lfunc_end0:
.L_simem_size_0:
called_computation_lowered:
.L_overlay_start_0:
0x88: {  	s2 =	sld [smem:$0x3FD9]  }
0x89: {  	s3 =	sld [smem:$0x3FFE];
	_ =	sdelay $0x1  }
0x8a: {  	s1 =	srdreg.scid  }
0x8b: {  	s0 =	sand.u32 $0x1, s1  }
0x8c: {  	s17 =	sshll.u32 s0, $0xA;
	s2 =	sadd.s32 s3, s2  }
0x8d: {  	s2 =	sadd.s32 s2, s17  }
0x8e: {  	[smem:$0x3FC7] =	sst s2  }
0x8f: {  	_ = 	snop  }
0x90: {  	s2 =	sld [smem:$0x3FD0];
	(tm) =	ssettm $0x1  }
0x91: {  	s18 =	sld [smem:$0x3FFB];
	_ =	sdelay $0x3  }
0x92: {  	_ =	strace s18  }
0x93: {  	s3 =	sld [smem:$0x3FFC];
	_ =	sdelay $0x3  }
0x94: {  	_ =	strace s3  }
0x95: {  	s3 =	sld [smem:$0x3FFD];
	_ =	sdelay $0x3  }
0x96: {  	_ =	strace s3  }
0x97: {  	_ =	strace $0x8FFFFFFF  }
0x98: {  	s19 =	sld [smem:$0x3FDB];
	_ =	sdelay $0x1  }
0x99: {  	s4 =	simm.s32 $_scs_section_size  }
0x9a: {  	s5 =	simm.s32 $_size__tile_overlayer_lowered;
	s6 =	simm.s32 $_tile_overlayer_lowered  }
0x9b: {  	s22 =	simm.s32 $0x1BFF;
	s21 =	sshll.u32 s6, $0x1;
	s3 =	sadd.s32 s4, s19  }
0x9c: {  	s7 =	simm.s32 $0x0;
	s20 =	sshll.u32 s5, $0x1;
	s5 =	sadd.s32 s21, s3  }
0x9d: {  	[timem:s7], [sflag:s22] =	dma.local [hbm:s5], s20  }
0x9e: {  	_ =	swait.ge [sflag:s22], s20  }
0x9f: {  	s4 =	ssub.s32 $0x0, s20;
	[sflag:s22] =	ssyncset.done $0x0  }
0xa0: {  	[sflag:s22] =	ssyncadd.s32 s4;
	_ =	sdelay $0x1  }
0xa1: {  	s23 =	simm.s32 $0x1B8B  }
0xa2: {  	_ =	swait.ge [sflag:s23], $0x1  }
0xa3: {  	[sflag:s23] =	ssyncset.done $0x0  }
0xa4: {  	s25 =	simm.s32 $0x1B8E;
	s24 =	sld [smem:$0x3FFE];
	[sflag:s23] =	ssyncadd.s32 $0xFFFFFFFF  }
0xa5: {  	s26 =	simm.s32 $execute0_lowered;
	[smem:$0x3FD2] =	sst s25  }
0xa6: {  	s5 =	sshll.u32 s26, $0x1;
	_ =	strace $0x80000046;
	[dreg:$0x1] =	wrdreg $0xFFFFFFFF  }
0xa7: {  	s28 =	simm.s32 $_size_execute0_lowered;
	s3 =	sadd.s32 s3, s5;
	[dreg:$0x0] =	wrdreg $0x0  }
0xa8: {  	s5 =	sshll.u32 s28, $0x1;
	[dreg:$0x2] =	wrdreg s3  }
0xa9: {  	[dreg:$0x3] =	wrdreg s5  }
0xaa: {  	[dreg:$0x4] =	wrdreg $0xC0  }
0xab: {  	_ =	task [dreg:s7], $0x5FFFF  }
0xac: {  	[dreg:$0x1] =	wrdreg $0xFFFFFFFF  }
0xad: {  	[dreg:$0x0] =	wrdreg $0x60  }
0xae: {  	[dreg:$0x2] =	wrdreg s24  }
0xaf: {  	[dreg:$0x3] =	wrdreg s2  }
0xb0: {  	[dreg:$0x4] =	wrdreg $0x9  }
0xb1: {  	_ =	task.clear_ibuf [dreg:s7], $0x5FFFF;
	_ =	strace $0x90000046  }
0xb2: {  	s29 =	simm.s32 $0x9;
	_ =	strace $0x80000048  }
0xb3: {  	_ =	swait.ge [sflag:s29], $0x1  }
0xb4: {  	[sflag:s29] =	ssyncadd.s32 $0xFFFFFFFF  }
0xb5: {  	_ =	strace $0x90000048  }
0xb6: {  	_ =	sfence  }
0xb7: {  	s30 =	sld [smem:$0x0];
	_ =	sdelay $0x2  }
0xb8: {  	s31 =	sshll.u32 s1, $0xD;
	s1 =	sshrl.u32 s1, $0x2  }
0xb9: {  	s3 =	sand.u32 $0x4000, s31;
	s1 =	sadd.s32 s1, s30  }
0xba: {  	s0 =	sor.u32 s3, s0;
	s1 =	sshll.u32 s1, $0x11  }
0xbb: {  	s0 =	sor.u32 s1, s0  }
0xbc: {  	s0 =	sadd.s32 $0x8F2B, s0  }
0xbd: {  	[sflag:s0] =	ssyncadd.remote.s32 $0x1  }
0xbe: {  	_ =	sfence.sel $0xFFFF  }
0xbf: {  	[dreg:$0x0] =	wrdreg $0xFFFFFFFF;
	(pc) =	sbr.abs _section_cstart, $3  }
0xc0: {  	[dreg:$0x1] =	wrdreg $0xFFFFFFFF  }
0xc1: {  	_ =	task.clear_ibuf [dreg:s7], $0x2FFFF;
	_ =	strace $0x9FFFFFFF  }
0xc2: {  	(tm) =	ssettm $0x7FFFFFFF  }
0xc3: {  	_ =	shalt  }
tec
execute0_lowered:
.L_overlay_start_1:
0x0: {  	(tag) =	ssettag $0x1  }
0x1: {  	s9 =	rddreg [dreg:$0x0]  }
0x2: {  	s0 =	srdreg.scid;
	s2 =	rddreg [dreg:$0x1]  }
0x3: {  	s1 =	stileid.u32;
	s3 =	simm.s32 $0x0;
	s11 =	simm.s32 $0x200  }
0x4: {  	s12 =	simm.s32 $0x400;
	s13 =	simm.s32 $0x4000;
	s14 =	simm.s32 $0x1  }
0x5: {  	s15 =	simm.s32 $0x8000;
	s16 =	simm.s32 $0x2;
	s17 =	simm.s32 $0x4  }
0x6: {  	s18 =	simm.s32 $0xC000;
	s19 =	simm.s32 $0x3;
	s20 =	simm.s32 $0x0  }
0x7: {  	s5 =	sand.u32 $0x1, s0;
	s0 =	rddreg [dreg:$0x2];
	s4 =	sshll.u32 s1, $0xF  }
.Ltmp0:
0x8: {  	[smem:$0x7FF] =	sst s3;
	s6 =	sshll.u32 s5, $0xE;
	(pc) =	sbr.rel .LBB2_1-.Ltmp0, $4  }
0x9: {  	s8 =	sadd.s32 $0x40, s2;
	s5 =	ssub.s32 $0x2, s5;
	s4 =	sor.u32 s6, s4  }
0xa: {  	_ =	strace $0x80000047;
	s7 =	sshrl.u32 s5, $0x1;
	s6 =	sadd.s32 s4, s9  }
0xb: {  	s10 =	ssub.s32 s5, s7;
	s7 =	sadd.s32 $0x1600, s9;
	s9 =	sadd.s32 $0x1640, s9  }
0xc: {  	v0 =	vimm.f32 $0.0e+00;
	s5 =	sadd.s32 $0x600, s6;
	s6 =	sadd.s32 $0x640, s6;
	s10 =	smax.u32 s10, $0x1  }
.LBB2_56:
0xd: {  	s20 =	sadd.s32 $0x1, s20  }
0xe: {  	_ =	swait.ge [sflag:s19], $0x4000;
	p0 =	sne.s32 s20, s10  }
.Ltmp1:
0xf: {  	[sflag:s19] =	ssyncset.done $0x0;
	(pc) =	sbr.rel @!p0 .LBB2_57-.Ltmp1, $4  }
0x10: {  	[sflag:s19] =	ssyncadd.s32 $0xFFFFC000  }
0x11: {  	_ =	swait.ge [sflag:s17], $0x4000  }
0x12: {  	[sflag:s17] =	ssyncset.done $0x0  }
0x13: {  	[sflag:s17] =	ssyncadd.s32 $0xFFFFC000  }
.LBB2_1:
0x14: {  	[tilespmem:s3], [sflag:$0x1] =	stream.strided.gather [hbm4b:s5+s11], $0x4000, s12, s11, $0x38;
	[tilespmem:$0x10000] =	vst v63  }
0x15: {  	s21 =	simm.s32 $0x0  }
0x16: {  	[tilespmem:s13], [sflag:$0x2] =	stream.strided.gather [hbm4b:s6+s11], $0x4000, s12, s11, $0x38;
	[tilespmem:$0x10000] =	vst v63  }
.LBB2_2:
0x17: {  	_ =	swait.ge [sflag:s14], $0x4000  }
0x18: {  	p0 =	seq.s32 s21, $0x0;
	[sflag:s14] =	ssyncset.done $0x0  }
0x19: {  	s22 =	simm.s32 @!p0 $0x3;
	[sflag:s14] =	ssyncadd.s32 $0xFFFFC000  }
0x1a: {  	_ =	swait.ge @!p0 [sflag:s22], $0x4000  }
0x1b: {  	[sflag:s22] =	ssyncset.done @!p0 $0x0  }
0x1c: {  	s23 =	simm.s32 $0x8040;
	[sflag:s22] =	ssyncadd.s32 @!p0 $0xFFFFC000  }
0x1d: {  	[tilespmem:s23+$0xFFFFFFC0] =	vst v0  }
0x1e: {  	[tilespmem:s23+$0x30] =	vst v0  }
0x1f: {  	[tilespmem:s23+$0x20] =	vst v0  }
0x20: {  	[tilespmem:s23+$0x10] =	vst v0  }
0x21: {  	[tilespmem:s23+$0x0] =	vst v0  }
0x22: {  	[tilespmem:s23+$0xFFFFFFF0] =	vst v0  }
0x23: {  	s24 =	simm.s32 $0x0;
	[tilespmem:s23+$0xFFFFFFE0] =	vst v0  }
.LBB2_3:
0x24: {  	s24 =	sadd.s32 $0x80, s24;
	[tilespmem:s23+$0xFFFFFFD0] =	vst v0;
	s23 =	sadd.s32 $0x200, s23;
	s22 =	simm.s32 $0x40  }
0x25: {  	[tilespmem:s23+$0xFFFFFFC0] =	vst v0;
	p1 =	slt.u32 s24, $0xF80  }
0x26: {  	[tilespmem:s23+$0x30] =	vst v0  }
.Ltmp2:
0x27: {  	[tilespmem:s23+$0x20] =	vst v0;
	(pc) =	sbr.rel @p1 .LBB2_3-.Ltmp2, $4  }
0x28: {  	[tilespmem:s23+$0x10] =	vst v0  }
0x29: {  	[tilespmem:s23+$0x0] =	vst v0  }
0x2a: {  	[tilespmem:s23+$0xFFFFFFF0] =	vst v0  }
0x2b: {  	[tilespmem:s23+$0xFFFFFFE0] =	vst v0  }
0x2c: {  	[tilespmem:s23+$0xFFFFFFD0] =	vst v0  }
0x2d: {  	v5 =	vld [tilespmem:s22+$0xFFFFFFE0];
	_ =	sdelay $0x2  }
0x2e: {  	v6 =	vld [tilespmem:s22+$0xFFFFFFD0]  }
0x2f: {  	v8 =	vld [tilespmem:s22+$0xFFFFFFF0]  }
0x30: {  	v10 =	vld [tilespmem:s22+$0x30];
	(xrf1) =	vunique.msk.u32 $0xffff, v5  }
0x31: {  	v21 =	vld [tilespmem:s22+$0x20]  }
0x32: {  	v7 =	vld [tilespmem:s22+$0x10]  }
0x33: {  	v13 =	vld [tilespmem:s22+$0x0];
	(xrf1) =	vunique.msk.u32 $0xffff, v6  }
0x34: {  	(xrf1) =	vunique.msk.u32 $0xffff, v8  }
0x35: {  	s31 =	simm.s32 $0x240;
	v15 =	vld [tilespmem:s22+$0xFFFFFFC0];
	(xrf1) =	vunique.msk.u32 $0xffff, v10  }
0x36: {  	v2 =	vld [tilespmem:s31+$0xFFFFFFE0];
	(xrf1) =	vunique.msk.u32 $0xffff, v21  }
0x37: {  	v1 =	vshll.u32 v6, $0x2;
	(xrf1) =	vunique.msk.u32 $0xffff, v7  }
0x38: {  	v17 =	vand.u32 $0xFFFFFE00, v1;
	v1 =	vld [tilespmem:s31+$0xFFFFFFF0];
	(xrf1) =	vunique.msk.u32 $0xffff, v13  }
0x39: {  	v3 =	vshll.u32 v5, $0x2  }
0x3a: {  	v4 =	vld [tilespmem:s31+$0xFFFFFFD0];
	v9 =	vshll.u32 v7, $0x2;
	v22 =	vshll.u32 v10, $0x2;
	v11 =	vshll.u32 v13, $0x2;
	(xrf1) =	vunique.msk.u32 $0xffff, v15  }
0x3b: {  	v18 =	vshll.u32 v2, $0x2;
	v5 =	vand.u32 $0x7F, v5;
	v12 =	vand.u32 $0xFFFFFE00, v3  }
0x3c: {  	v3 =	vshll.u32 v8, $0x2;
	v9 =	vand.u32 $0xFFFFFE00, v9;
	v24 =	vand.u32 $0xFFFFFE00, v11  }
0x3d: {  	v16 =	vand.u32 $0xFFFFFE00, v3;
	v3 =	vand.u32 $0x7F, v7;
	v20 =	vshll.u32 v1, $0x2  }
0x3e: {  	v11 =	vld [tilespmem:s31+$0x30];
	v6 =	vand.u32 $0x7F, v6;
	v3 =	vor.u32 v3, v9;
	v9 =	vshll.u32 v21, $0x2;
	_, v19, vm0 =	vpop (xrf1)  }
0x3f: {  	v26 =	vor.u32 v5, v12;
	v14 =	vand.u32 $0xFFFFFE00, v9;
	v9 =	vshll.u32 v4, $0x2  }
0x40: {  	v25 =	vand.u32 $0x7F, v10;
	v5 =	vld [tilespmem:s31+$0xFFFFFFC0];
	v17 =	vor.u32 v6, v17;
	v9 =	vand.u32 $0xFFFFFE00, v9;
	(xrf1) =	vunique.msk.u32 $0xffff, v2  }
0x41: {  	v7 =	vand.u32 $0xFFFFFE00, v18;
	v18 =	vand.u32 $0x7F, v8;
	v8 =	vld [tilespmem:s31+$0x20];
	v12 =	vand.u32 $0xFFFFFE00, v20;
	_, v20, vm1 =	vpop (xrf1)  }
0x42: {  	v16 =	vor.u32 v18, v16;
	v18 =	vld [tilespmem:s31+$0x10];
	v13 =	vand.u32 $0x7F, v13;
	v27 =	vcvt.s32.f32 v19;
	_, v23, vm2 =	vpop (xrf1)  }
0x43: {  	v6 =	vld [tilespmem:s31+$0x0];
	v10 =	vshll.u32 v11, $0x2;
	v13 =	vor.u32 v13, v24;
	v24 =	vand.u32 $0x7F, v21;
	(xrf1) =	vunique.msk.u32 $0xffff, v4;
	_, v21, vm3 =	vpop (xrf1)  }
0x44: {  	s24 =	simm.s32 $0x80;
	s25 =	simm.s32 $0x440;
	v19 =	vand.u32 $0x7F, v15;
	(xrf1) =	vunique.msk.u32 $0xffff, v1;
	[tilespmem:v26+s15+$0x0] =	vst.idx.add.f32.msk vm0, v27;
	v26 =	vand.u32 $0xFFFFFE00, v22;
	_, v22, vm0 =	vpop (xrf1)  }
.LBB2_5:
0x45: {  	v27 =	vld [tilespmem:s25+$0xFFFFFFE0];
	s24 =	sadd.s32 $0x80, s24;
	(xrf1) =	vunique.msk.u32 $0xffff, v11;
	v15 =	vshll.u32 v15, $0x2;
	v24 =	vor.u32 v24, v14;
	v14 =	vor.u32 v25, v26;
	s22 =	simm.s32 $0xF70;
	s23 =	simm.s32 $0x3E00;
	_, v25, vm5 =	vpop (xrf1)  }
0x46: {  	v20 =	vcvt.s32.f32 v20;
	v23 =	vcvt.s32.f32 v23;
	v26 =	vld [tilespmem:s25+$0xFFFFFFD0];
	p1 =	slt.u32 s24, $0xF00;
	(xrf1) =	vunique.msk.u32 $0xffff, v8;
	v15 =	vand.u32 $0xFFFFFE00, v15;
	_, v28, vm4 =	vpop (xrf1)  }
0x47: {  	v29 =	vld [tilespmem:s25+$0xFFFFFFF0];
	v30 =	vand.u32 $0x7F, v18;
	v31 =	vshll.u32 v18, $0x2;
	(xrf1) =	vunique.msk.u32 $0xffff, v18;
	v18 =	vor.u32 v19, v15;
	v19 =	vmovc v4  }
0x48: {  	v32 =	vcvt.s32.f32 v25;
	v15 =	vcvt.s32.f32 v21;
	(xrf1) =	vunique.msk.u32 $0xffff, v6;
	[tilespmem:v17+s15+$0x0] =	vst.idx.add.f32.msk vm1, v20;
	_, v17, vm1 =	vpop (xrf1)  }
0x49: {  	v21 =	vmovc v9;
	v20 =	vand.u32 $0xFFFFFE00, v31;
	v17 =	vcvt.s32.f32 v17;
	[tilespmem:v16+s15+$0x0] =	vst.idx.add.f32.msk vm2, v23;
	v16 =	vcvt.s32.f32 v22;
	v22 =	vmovc v12  }
0x4a: {  	v25 =	vmovc v11;
	v9 =	vor.u32 v30, v20;
	v12 =	vshll.u32 v8, $0x2;
	(xrf1) =	vunique.msk.u32 $0xffff, v5;
	[tilespmem:v14+s15+$0x0] =	vst.idx.add.f32.msk vm3, v15  }
0x4b: {  	v11 =	vshll.u32 v6, $0x2;
	v14 =	vand.u32 $0xFFFFFE00, v12;
	v12 =	vcvt.s32.f32 v28;
	[tilespmem:v3+s15+$0x0] =	vst.idx.add.f32.msk vm5, v32;
	v4 =	vmovc v26;
	v3 =	vmovc v9  }
0x4c: {  	v20 =	vshll.u32 v27, $0x2;
	v26 =	vand.u32 $0xFFFFFE00, v11;
	v15 =	vmovc v5;
	v9 =	vshll.u32 v4, $0x2;
	[tilespmem:v24+s15+$0x0] =	vst.idx.add.f32.msk vm0, v16;
	v24 =	vmovc v8  }
0x4d: {  	v5 =	vand.u32 $0xFFFFFE00, v20;
	v8 =	vshll.u32 v29, $0x2;
	v9 =	vand.u32 $0xFFFFFE00, v9;
	[tilespmem:v13+s15+$0x0] =	vst.idx.add.f32.msk vm4, v12  }
0x4e: {  	v12 =	vand.u32 $0xFFFFFE00, v8;
	v8 =	vand.u32 $0x7F, v2;
	v2 =	vmov v27;
	_, v13, vm0 =	vpop (xrf1);
	[tilespmem:v18+s15+$0x0] =	vst.idx.add.f32.msk vm1, v17  }
0x4f: {  	v27 =	vor.u32 v8, v7;
	v7 =	vmov v5;
	v11 =	vld [tilespmem:s25+$0x30]  }
.Ltmp3:
0x50: {  	v16 =	vand.u32 $0x7F, v1;
	v1 =	vmov v29;
	v5 =	vld [tilespmem:s25+$0xFFFFFFC0];
	(xrf1) =	vunique.msk.u32 $0xffff, v2;
	(pc) =	sbr.rel @p1 .LBB2_5-.Ltmp3, $4  }
0x51: {  	v16 =	vor.u32 v16, v22;
	v17 =	vand.u32 $0x7F, v19;
	v28 =	vcvt.s32.f32 v13;
	v8 =	vld [tilespmem:s25+$0x20];
	_, v20, vm1 =	vpop (xrf1)  }
0x52: {  	v19 =	vand.u32 $0x7F, v15;
	v17 =	vor.u32 v17, v21;
	v13 =	vand.u32 $0x7F, v6;
	v18 =	vld [tilespmem:s25+$0x10];
	_, v23, vm2 =	vpop (xrf1)  }
0x53: {  	v25 =	vand.u32 $0x7F, v25;
	v24 =	vand.u32 $0x7F, v24;
	v13 =	vor.u32 v13, v26;
	v6 =	vld [tilespmem:s25+$0x0];
	(xrf1) =	vunique.msk.u32 $0xffff, v4;
	_, v21, vm3 =	vpop (xrf1)  }
0x54: {  	v26 =	vand.u32 $0xFFFFFE00, v10;
	s25 =	sadd.s32 $0x200, s25;
	(xrf1) =	vunique.msk.u32 $0xffff, v1;
	[tilespmem:v27+s15+$0x0] =	vst.idx.add.f32.msk vm0, v28;
	v10 =	vshll.u32 v11, $0x2;
	_, v22, vm0 =	vpop (xrf1)  }
0x55: {  	(xrf1) =	vunique.msk.u32 $0xffff, v11  }
0x56: {  	(xrf1) =	vunique.msk.u32 $0xffff, v8  }
0x57: {  	(xrf1) =	vunique.msk.u32 $0xffff, v18  }
0x58: {  	(xrf1) =	vunique.msk.u32 $0xffff, v6  }
0x59: {  	(xrf1) =	vunique.msk.u32 $0xffff, v5  }
0x5a: {  	v15 =	vshll.u32 v15, $0x2  }
0x5b: {  	v14 =	vor.u32 v24, v14;
	v20 =	vcvt.s32.f32 v20;
	v23 =	vcvt.s32.f32 v23  }
0x5c: {  	v38 =	vor.u32 v25, v26;
	v21 =	vcvt.s32.f32 v21;
	v43 =	vcvt.s32.f32 v22  }
0x5d: {  	_, v27, vm6 =	vpop (xrf1);
	v2 =	vand.u32 $0x7F, v2;
	v4 =	vand.u32 $0x7F, v4;
	v1 =	vand.u32 $0x7F, v1  }
0x5e: {  	v50 =	vand.u32 $0x7F, v11;
	v10 =	vand.u32 $0xFFFFFE00, v10;
	v53 =	vand.u32 $0x7F, v5;
	_, v39, vm5 =	vpop (xrf1)  }
0x5f: {  	v15 =	vand.u32 $0xFFFFFE00, v15;
	v27 =	vcvt.s32.f32 v27;
	v2 =	vor.u32 v2, v7;
	[tilespmem:v17+s15+$0x0] =	vst.idx.add.f32.msk vm1, v20;
	_, v40, vm4 =	vpop (xrf1)  }
0x60: {  	v44 =	vshll.u32 v8, $0x2;
	v4 =	vor.u32 v4, v9;
	v15 =	vor.u32 v19, v15;
	[tilespmem:v16+s15+$0x0] =	vst.idx.add.f32.msk vm2, v23;
	_, v45, vm9 =	vpop (xrf1)  }
0x61: {  	v1 =	vor.u32 v1, v12;
	v10 =	vor.u32 v50, v10;
	v56 =	vand.u32 $0x7F, v8;
	[tilespmem:v38+s15+$0x0] =	vst.idx.add.f32.msk vm3, v21;
	_, v23, vm2 =	vpop (xrf1)  }
0x62: {  	v41 =	vand.u32 $0x7F, v18;
	v42 =	vshll.u32 v18, $0x2;
	v47 =	vcvt.s32.f32 v39;
	[tilespmem:v14+s15+$0x0] =	vst.idx.add.f32.msk vm0, v43;
	_, v48, vm10 =	vpop (xrf1)  }
0x63: {  	v20 =	vand.u32 $0xFFFFFE00, v44;
	v18 =	vand.u32 $0xFFFFFE00, v42;
	v19 =	vcvt.s32.f32 v40;
	[tilespmem:v3+s15+$0x0] =	vst.idx.add.f32.msk vm6, v27;
	_, v49, vm11 =	vpop (xrf1)  }
0x64: {  	v46 =	vshll.u32 v6, $0x2;
	v55 =	vand.u32 $0x7F, v6;
	[tilespmem:v13+s15+$0x0] =	vst.idx.add.f32.msk vm5, v47;
	v52 =	vcvt.s32.f32 v45;
	_, v51, vm12 =	vpop (xrf1)  }
0x65: {  	v58 =	vor.u32 v56, v20;
	v18 =	vor.u32 v41, v18;
	[tilespmem:v15+s15+$0x0] =	vst.idx.add.f32.msk vm4, v19;
	v57 =	vcvt.s32.f32 v23;
	_, v54, vm13 =	vpop (xrf1)  }
0x66: {  	v3 =	vand.u32 $0xFFFFFE00, v46;
	v7 =	vcvt.s32.f32 v48;
	[tilespmem:v2+s15+$0x0] =	vst.idx.add.f32.msk vm9, v52;
	v2 =	vshll.u32 v5, $0x2;
	_, v59, vm14 =	vpop (xrf1)  }
0x67: {  	v3 =	vor.u32 v55, v3;
	v60 =	vcvt.s32.f32 v49;
	v2 =	vand.u32 $0xFFFFFE00, v2;
	[tilespmem:v4+s15+$0x0] =	vst.idx.add.f32.msk vm2, v57;
	_, v61, vm15 =	vpop (xrf1)  }
0x68: {  	v2 =	vor.u32 v53, v2;
	[tilespmem:v1+s15+$0x0] =	vst.idx.add.f32.msk vm10, v7;
	v1 =	vcvt.s32.f32 v51  }
0x69: {  	v62 =	vcvt.s32.f32 v54;
	[tilespmem:v10+s15+$0x0] =	vst.idx.add.f32.msk vm11, v60  }
0x6a: {  	v63 =	vcvt.s32.f32 v59;
	[tilespmem:v58+s15+$0x0] =	vst.idx.add.f32.msk vm12, v1  }
0x6b: {  	v6 =	vcvt.s32.f32 v61;
	[tilespmem:v18+s15+$0x0] =	vst.idx.add.f32.msk vm13, v62  }
0x6c: {  	[tilespmem:v3+s15+$0x0] =	vst.idx.add.f32.msk vm14, v63  }
0x6d: {  	s24 =	simm.s32 $0x0;
	[tilespmem:v2+s15+$0x0] =	vst.idx.add.f32.msk vm15, v6  }
.LBB2_7:
0x6e: {  	s25 =	sand.u32 $0x3FFFFE00, s23  }
0x6f: {  	s25 =	sadd.s32 s25, s24  }
0x70: {  	v1 =	vld [tilespmem:s25+$0x0];
	_ =	sdelay $0x4  }
0x71: {  	(xrf1) =	vunique.msk.u32 $0xffff, v1;
	_ =	sdelay $0xc  }
0x72: {  	v2 =	vshll.u32 v1, $0x2  }
0x73: {  	s22 =	sadd.s32 $0x10, s22;
	v1 =	vand.u32 $0x7F, v1;
	v2 =	vand.u32 $0xFFFFFE00, v2;
	_, v3, vm0 =	vpop (xrf1)  }
0x74: {  	p1 =	slt.u32 s22, $0xFE0;
	v1 =	vor.u32 v1, v2  }
.Ltmp4:
0x75: {  	_ = 	snop;
	(pc) =	sbr.rel @p1 .LBB2_7-.Ltmp4, $3  }
0x76: {  	_ = 	snop  }
0x77: {  	v2 =	vcvt.s32.f32 v3;
	_ =	sdelay $0x1  }
0x78: {  	s23 =	sadd.s32 $0x40, s23;
	s24 =	sadd.s32 $0x10, s24;
	[tilespmem:v1+s15+$0x0] =	vst.idx.add.f32.msk vm0, v2  }
0x79: {  	v1 =	vld [tilespmem:$0x3E70];
	_ =	sdelay $0x4  }
0x7a: {  	(xrf1) =	vunique.msk.u32 $0x7ff, v1;
	_ =	sdelay $0xc  }
0x7b: {  	v2 =	vshll.u32 v1, $0x2  }
0x7c: {  	v1 =	vand.u32 $0x7F, v1;
	v2 =	vand.u32 $0xFFFFFE00, v2;
	_, v3, vm0 =	vpop (xrf1)  }
0x7d: {  	v1 =	vor.u32 v1, v2;
	_ =	sdelay $0x2  }
0x7e: {  	v2 =	vcvt.s32.f32 v3;
	_ =	sdelay $0x1  }
0x7f: {  	s23 =	simm.s32 $0x80F0;
	[tilespmem:v1+s15+$0x0] =	vst.idx.add.f32.msk vm0, v2  }
0x80: {  	[tilespmem:s23+$0xFFFFFF90] =	vst v0  }
0x81: {  	[tilespmem:s23+$0x0] =	vst v0  }
0x82: {  	[tilespmem:s23+$0xFFFFFFF0] =	vst v0  }
0x83: {  	[tilespmem:s23+$0xFFFFFFE0] =	vst v0  }
0x84: {  	[tilespmem:s23+$0xFFFFFFD0] =	vst v0  }
0x85: {  	[tilespmem:s23+$0xFFFFFFC0] =	vst v0  }
0x86: {  	s24 =	simm.s32 $0x0;
	[tilespmem:s23+$0xFFFFFFB0] =	vst v0  }
.LBB2_9:
0x87: {  	s24 =	sadd.s32 $0x80, s24;
	[tilespmem:s23+$0xFFFFFFA0] =	vst v0;
	s23 =	sadd.s32 $0x200, s23;
	s22 =	simm.s32 $0xF0  }
0x88: {  	[tilespmem:s23+$0xFFFFFF90] =	vst v0;
	p1 =	slt.u32 s24, $0xF80  }
0x89: {  	[tilespmem:s23+$0x0] =	vst v0  }
.Ltmp5:
0x8a: {  	[tilespmem:s23+$0xFFFFFFF0] =	vst v0;
	(pc) =	sbr.rel @p1 .LBB2_9-.Ltmp5, $4  }
0x8b: {  	[tilespmem:s23+$0xFFFFFFE0] =	vst v0  }
0x8c: {  	[tilespmem:s23+$0xFFFFFFD0] =	vst v0  }
0x8d: {  	[tilespmem:s23+$0xFFFFFFC0] =	vst v0  }
0x8e: {  	[tilespmem:s23+$0xFFFFFFB0] =	vst v0  }
0x8f: {  	[tilespmem:s23+$0xFFFFFFA0] =	vst v0  }
0x90: {  	v1 =	vld [tilespmem:s22+$0xFFFFFFC0]  }
0x91: {  	v2 =	vld [tilespmem:s22+$0xFFFFFFB0]  }
0x92: {  	v3 =	vld [tilespmem:s22+$0xFFFFFFA0]  }
0x93: {  	v4 =	vld [tilespmem:s22+$0xFFFFFF90]  }
0x94: {  	v6 =	vld [tilespmem:s22+$0xFFFFFFD0]  }
0x95: {  	v5 =	vld [tilespmem:s22+$0x0]  }
0x96: {  	v7 =	vld [tilespmem:s22+$0xFFFFFFE0];
	(xrf1) =	vunique.msk.u32 $0xffff, v1  }
0x97: {  	v11 =	vld [tilespmem:s22+$0xFFFFFFF0];
	(xrf1) =	vunique.msk.u32 $0xffff, v2  }
0x98: {  	(xrf1) =	vunique.msk.u32 $0xffff, v3  }
0x99: {  	v8 =	vshll.u32 v6, $0x2;
	(xrf1) =	vunique.msk.u32 $0xffff, v4  }
0x9a: {  	v9 =	vshll.u32 v3, $0x2;
	v10 =	vshll.u32 v2, $0x2;
	v12 =	vshll.u32 v1, $0x2;
	(xrf1) =	vunique.msk.u32 $0xffff, v6  }
0x9b: {  	v13 =	vshll.u32 v4, $0x2;
	v14 =	vand.u32 $0x7F, v1;
	v1 =	vand.u32 $0x7F, v4;
	(xrf1) =	vunique.msk.u32 $0xffff, v5  }
0x9c: {  	v17 =	vand.u32 $0x7F, v11;
	v16 =	vand.u32 $0xFFFFFE00, v10;
	v2 =	vand.u32 $0x7F, v2;
	(xrf1) =	vunique.msk.u32 $0xffff, v7  }
0x9d: {  	v12 =	vand.u32 $0xFFFFFE00, v12;
	v8 =	vand.u32 $0xFFFFFE00, v8;
	v4 =	vand.u32 $0xFFFFFE00, v13;
	(xrf1) =	vunique.msk.u32 $0xffff, v11  }
0x9e: {  	v3 =	vand.u32 $0x7F, v3;
	v13 =	vand.u32 $0x7F, v5;
	v15 =	vor.u32 v4, v1  }
0x9f: {  	s31 =	simm.s32 $0x2F0;
	v1 =	vand.u32 $0xFFFFFE00, v9;
	v9 =	vshll.u32 v7, $0x2;
	v6 =	vand.u32 $0x7F, v6  }
0xa0: {  	v10 =	vld [tilespmem:s31+$0xFFFFFFA0];
	v1 =	vor.u32 v1, v3;
	v3 =	vshll.u32 v11, $0x2;
	v9 =	vand.u32 $0xFFFFFE00, v9  }
0xa1: {  	v4 =	vld [tilespmem:s31+$0xFFFFFFC0];
	v5 =	vshll.u32 v5, $0x2;
	v7 =	vand.u32 $0x7F, v7;
	v18 =	vand.u32 $0xFFFFFE00, v3  }
0xa2: {  	v3 =	vld [tilespmem:s31+$0xFFFFFFB0];
	v19 =	vor.u32 v18, v17;
	v18 =	vor.u32 v16, v2;
	v2 =	vor.u32 v9, v7  }
0xa3: {  	v17 =	vand.u32 $0xFFFFFE00, v5;
	v7 =	vor.u32 v12, v14;
	v5 =	vor.u32 $0x80, v2  }
0xa4: {  	v12 =	vld [tilespmem:s31+$0xFFFFFF90];
	v2 =	vor.u32 $0x80, v15;
	v15 =	vor.u32 $0x80, v7;
	v7 =	vor.u32 v8, v6;
	_, v9, vm4 =	vpop (xrf1)  }
0xa5: {  	v16 =	vld [tilespmem:s31+$0xFFFFFFD0];
	v20 =	vor.u32 v17, v13;
	_, v14, vm2 =	vpop (xrf1)  }
0xa6: {  	(xrf1) =	vunique.msk.u32 $0xffff, v4;
	v13 =	vcvt.s32.f32 v9;
	_, v9, vm0 =	vpop (xrf1);
	v11 =	vcvt.s32.f32 v14;
	v14 =	vor.u32 $0x80, v18;
	v18 =	vld [tilespmem:s31+$0x0]  }
0xa7: {  	v1 =	vor.u32 $0x80, v1;
	v25 =	vshll.u32 v10, $0x2;
	v8 =	vor.u32 $0x80, v19;
	(xrf1) =	vunique.msk.u32 $0xffff, v3;
	_, v27, vm3 =	vpop (xrf1)  }
0xa8: {  	v22 =	vld [tilespmem:s31+$0xFFFFFFE0];
	v21 =	vor.u32 $0x80, v7;
	v24 =	vshll.u32 v4, $0x2;
	v26 =	vshll.u32 v3, $0x2;
	(xrf1) =	vunique.msk.u32 $0xffff, v10;
	_, v7, vm5 =	vpop (xrf1)  }
0xa9: {  	v6 =	vcvt.s32.f32 v9;
	(xrf1) =	vunique.msk.u32 $0xffff, v12;
	v9 =	vor.u32 $0x80, v20;
	v20 =	vld [tilespmem:s31+$0xFFFFFFF0];
	v23 =	vcvt.s32.f32 v7;
	_, v7, vm1 =	vpop (xrf1)  }
0xaa: {  	s23 =	simm.s32 $0x4F0;
	s22 =	simm.s32 $0x80;
	v17 =	vshll.u32 v16, $0x2;
	(xrf1) =	vunique.msk.u32 $0xffff, v16;
	v19 =	vcvt.s32.f32 v27;
	v7 =	vcvt.s32.f32 v7;
	_, v27, vm6 =	vpop (xrf1)  }
.LBB2_11:
0xab: {  	s22 =	sadd.s32 $0x80, s22;
	v28 =	vshll.u32 v12, $0x2;
	v29 =	vand.u32 $0x7F, v4;
	v4 =	vld [tilespmem:s23+$0xFFFFFFC0];
	(xrf1) =	vunique.msk.u32 $0xffff, v18;
	v27 =	vcvt.s32.f32 v27;
	_, v30, vm7 =	vpop (xrf1)  }
0xac: {  	v32 =	vand.u32 $0x7F, v12;
	v33 =	vand.u32 $0x7F, v18;
	v34 =	vmovc v1;
	v35 =	vmovc v16;
	v31 =	vld [tilespmem:s23+$0xFFFFFFA0];
	p1 =	slt.u32 s22, $0xF00;
	v28 =	vand.u32 $0xFFFFFE00, v28  }
0xad: {  	v1 =	vand.u32 $0xFFFFFE00, v25;
	v12 =	vld [tilespmem:s23+$0xFFFFFF90];
	v28 =	vor.u32 v28, v32;
	v16 =	vshll.u32 v22, $0x2;
	(xrf1) =	vunique.msk.u32 $0xffff, v22  }
0xae: {  	v10 =	vand.u32 $0x7F, v10;
	v25 =	vand.u32 $0xFFFFFE00, v26;
	(xrf1) =	vunique.msk.u32 $0xffff, v20;
	[tilespmem:v21+s15+$0x0] =	vst.idx.add.f32.msk vm5, v23  }
0xaf: {  	v1 =	vor.u32 v1, v10;
	v22 =	vand.u32 $0x7F, v22;
	v21 =	vand.u32 $0x7F, v3;
	v3 =	vld [tilespmem:s23+$0xFFFFFFB0]  }
0xb0: {  	v1 =	vor.u32 $0x80, v1;
	v23 =	vand.u32 $0xFFFFFE00, v24;
	v32 =	vshll.u32 v20, $0x2;
	v26 =	vld [tilespmem:s23+$0x0]  }
0xb1: {  	v18 =	vshll.u32 v18, $0x2;
	v20 =	vand.u32 $0x7F, v20;
	v24 =	vand.u32 $0xFFFFFE00, v32;
	[tilespmem:v15+s15+$0x0] =	vst.idx.add.f32.msk vm4, v13;
	v10 =	vmovc v31  }
0xb2: {  	v20 =	vor.u32 v24, v20;
	v31 =	vand.u32 $0xFFFFFE00, v16;
	v15 =	vand.u32 $0xFFFFFE00, v18;
	[tilespmem:v5+s15+$0x0] =	vst.idx.add.f32.msk vm6, v27  }
0xb3: {  	v18 =	vor.u32 v25, v21;
	v21 =	vcvt.s32.f32 v30;
	v5 =	vor.u32 v31, v22;
	[tilespmem:v14+s15+$0x0] =	vst.idx.add.f32.msk vm2, v11  }
0xb4: {  	v24 =	vor.u32 v15, v33;
	v14 =	vor.u32 v23, v29;
	v5 =	vor.u32 $0x80, v5;
	v16 =	vld [tilespmem:s23+$0xFFFFFFD0];
	_, v13, vm4 =	vpop (xrf1)  }
0xb5: {  	v15 =	vor.u32 $0x80, v14;
	v13 =	vcvt.s32.f32 v13;
	_, v11, vm2 =	vpop (xrf1);
	[tilespmem:v2+s15+$0x0] =	vst.idx.add.f32.msk vm3, v19;
	v2 =	vor.u32 $0x80, v28  }
0xb6: {  	v17 =	vand.u32 $0xFFFFFE00, v17;
	v22 =	vand.u32 $0x7F, v35;
	v11 =	vcvt.s32.f32 v11;
	[tilespmem:v34+s15+$0x0] =	vst.idx.add.f32.msk vm0, v6;
	_, v6, vm0 =	vpop (xrf1)  }
.Ltmp6:
0xb7: {  	v17 =	vor.u32 v17, v22;
	v14 =	vor.u32 $0x80, v18;
	(xrf1) =	vunique.msk.u32 $0xffff, v4;
	_, v19, vm3 =	vpop (xrf1);
	[tilespmem:v8+s15+$0x0] =	vst.idx.add.f32.msk vm7, v21;
	(pc) =	sbr.rel @p1 .LBB2_11-.Ltmp6, $4  }
0xb8: {  	v6 =	vcvt.s32.f32 v6;
	v21 =	vor.u32 $0x80, v17;
	(xrf1) =	vunique.msk.u32 $0xffff, v3;
	_, v8, vm5 =	vpop (xrf1);
	[tilespmem:v9+s15+$0x0] =	vst.idx.add.f32.msk vm1, v7  }
0xb9: {  	v17 =	vshll.u32 v16, $0x2;
	v22 =	vld [tilespmem:s23+$0xFFFFFFE0];
	(xrf1) =	vunique.msk.u32 $0xffff, v10;
	v23 =	vcvt.s32.f32 v8;
	v8 =	vor.u32 $0x80, v20;
	_, v7, vm1 =	vpop (xrf1)  }
0xba: {  	v25 =	vshll.u32 v10, $0x2;
	v18 =	vmovc v26;
	v9 =	vor.u32 $0x80, v24;
	v20 =	vld [tilespmem:s23+$0xFFFFFFF0];
	(xrf1) =	vunique.msk.u32 $0xffff, v12;
	v7 =	vcvt.s32.f32 v7  }
0xbb: {  	v26 =	vshll.u32 v3, $0x2;
	v24 =	vshll.u32 v4, $0x2;
	v19 =	vcvt.s32.f32 v19;
	s23 =	sadd.s32 $0x200, s23;
	(xrf1) =	vunique.msk.u32 $0xffff, v16;
	_, v27, vm6 =	vpop (xrf1)  }
0xbc: {  	_ = 	snop  }
0xbd: {  	(xrf1) =	vunique.msk.u32 $0xffff, v18  }
0xbe: {  	(xrf1) =	vunique.msk.u32 $0xffff, v22  }
0xbf: {  	(xrf1) =	vunique.msk.u32 $0xffff, v20;
	_ =	sdelay $0x1  }
0xc0: {  	v28 =	vshll.u32 v12, $0x2;
	v4 =	vand.u32 $0x7F, v4  }
0xc1: {  	v27 =	vcvt.s32.f32 v27;
	v38 =	vand.u32 $0x7F, v12;
	v30 =	vand.u32 $0x7F, v18  }
0xc2: {  	v25 =	vand.u32 $0xFFFFFE00, v25;
	v10 =	vand.u32 $0x7F, v10;
	v26 =	vand.u32 $0xFFFFFE00, v26  }
0xc3: {  	v3 =	vand.u32 $0x7F, v3;
	v42 =	vand.u32 $0x7F, v16;
	v43 =	vand.u32 $0xFFFFFE00, v17  }
0xc4: {  	_, v29, vm9 =	vpop (xrf1);
	[tilespmem:v21+s15+$0x0] =	vst.idx.add.f32.msk vm5, v23;
	v45 =	vand.u32 $0xFFFFFE00, v24;
	v55 =	vshll.u32 v18, $0x2;
	v28 =	vand.u32 $0xFFFFFE00, v28  }
0xc5: {  	[tilespmem:v15+s15+$0x0] =	vst.idx.add.f32.msk vm4, v13;
	v13 =	vor.u32 v43, v42;
	v4 =	vor.u32 v45, v4;
	v51 =	vcvt.s32.f32 v29;
	_, v39, vm8 =	vpop (xrf1)  }
0xc6: {  	[tilespmem:v14+s15+$0x0] =	vst.idx.add.f32.msk vm2, v11;
	v3 =	vor.u32 v26, v3;
	v57 =	vand.u32 $0xFFFFFE00, v55;
	v12 =	vor.u32 v28, v38;
	_, v32, vm7 =	vpop (xrf1)  }
0xc7: {  	[tilespmem:v1+s15+$0x0] =	vst.idx.add.f32.msk vm0, v6;
	v31 =	vshll.u32 v22, $0x2;
	v40 =	vand.u32 $0x7F, v22;
	v4 =	vor.u32 $0x80, v4;
	_, v41, vm12 =	vpop (xrf1)  }
0xc8: {  	[tilespmem:v9+s15+$0x0] =	vst.idx.add.f32.msk vm1, v7;
	v49 =	vor.u32 $0x80, v13;
	v3 =	vor.u32 $0x80, v3;
	v59 =	vor.u32 v57, v30;
	_, v44, vm13 =	vpop (xrf1)  }
0xc9: {  	[tilespmem:v2+s15+$0x0] =	vst.idx.add.f32.msk vm3, v19;
	v46 =	vshll.u32 v20, $0x2;
	v48 =	vand.u32 $0xFFFFFE00, v31;
	v12 =	vor.u32 $0x80, v12;
	_, v47, vm14 =	vpop (xrf1)  }
0xca: {  	[tilespmem:v5+s15+$0x0] =	vst.idx.add.f32.msk vm6, v27;
	v1 =	vand.u32 $0x7F, v20;
	v61 =	vor.u32 $0x80, v59;
	v56 =	vcvt.s32.f32 v39;
	_, v11, vm2 =	vpop (xrf1)  }
0xcb: {  	v50 =	vor.u32 v48, v40;
	v53 =	vand.u32 $0xFFFFFE00, v46;
	[tilespmem:v8+s15+$0x0] =	vst.idx.add.f32.msk vm9, v51;
	v60 =	vcvt.s32.f32 v32;
	_, v2, vm3 =	vpop (xrf1)  }
0xcc: {  	v52 =	vor.u32 $0x80, v50;
	v1 =	vor.u32 v53, v1;
	v62 =	vcvt.s32.f32 v44;
	[tilespmem:v4+s15+$0x0] =	vst.idx.add.f32.msk vm8, v56;
	_, v58, vm15 =	vpop (xrf1)  }
0xcd: {  	v10 =	vor.u32 v25, v10;
	v1 =	vor.u32 $0x80, v1;
	v54 =	vcvt.s32.f32 v47;
	[tilespmem:v3+s15+$0x0] =	vst.idx.add.f32.msk vm7, v60  }
0xce: {  	v10 =	vor.u32 $0x80, v10;
	v63 =	vcvt.s32.f32 v11;
	[tilespmem:v12+s15+$0x0] =	vst.idx.add.f32.msk vm13, v62  }
0xcf: {  	v2 =	vcvt.s32.f32 v2;
	[tilespmem:v49+s15+$0x0] =	vst.idx.add.f32.msk vm14, v54  }
0xd0: {  	v3 =	vcvt.s32.f32 v58;
	[tilespmem:v61+s15+$0x0] =	vst.idx.add.f32.msk vm2, v63  }
0xd1: {  	[tilespmem:v52+s15+$0x0] =	vst.idx.add.f32.msk vm3, v2;
	v2 =	vcvt.s32.f32 v41  }
0xd2: {  	[tilespmem:v1+s15+$0x0] =	vst.idx.add.f32.msk vm15, v3  }
0xd3: {  	s22 =	simm.s32 $0x80;
	s23 =	simm.s32 $0xF70;
	s24 =	simm.s32 $0x3E00;
	[tilespmem:v10+s15+$0x0] =	vst.idx.add.f32.msk vm12, v2  }
.LBB2_13:
0xd4: {  	s25 =	sand.u32 $0x3FFFFE00, s24  }
0xd5: {  	s25 =	sadd.s32 s25, s22  }
0xd6: {  	v1 =	vld [tilespmem:s25+$0x0];
	_ =	sdelay $0x4  }
0xd7: {  	(xrf1) =	vunique.msk.u32 $0xffff, v1;
	_ =	sdelay $0xb  }
0xd8: {  	v2 =	vshll.u32 v1, $0x2  }
0xd9: {  	v1 =	vand.u32 $0x7F, v1;
	v2 =	vand.u32 $0xFFFFFE00, v2  }
0xda: {  	s23 =	sadd.s32 $0x10, s23;
	v1 =	vor.u32 v2, v1;
	_, v3, vm0 =	vpop (xrf1)  }
0xdb: {  	p1 =	slt.u32 s23, $0xFE0;
	v1 =	vor.u32 $0x80, v1  }
.Ltmp7:
0xdc: {  	_ = 	snop;
	(pc) =	sbr.rel @p1 .LBB2_13-.Ltmp7, $3  }
0xdd: {  	_ = 	snop  }
0xde: {  	v2 =	vcvt.s32.f32 v3;
	_ =	sdelay $0x1  }
0xdf: {  	s24 =	sadd.s32 $0x40, s24;
	s22 =	sadd.s32 $0x10, s22;
	[tilespmem:v1+s15+$0x0] =	vst.idx.add.f32.msk vm0, v2  }
0xe0: {  	v1 =	vld [tilespmem:$0x3EF0];
	_ =	sdelay $0x4  }
0xe1: {  	(xrf1) =	vunique.msk.u32 $0x7ff, v1;
	_ =	sdelay $0xb  }
0xe2: {  	v2 =	vshll.u32 v1, $0x2  }
0xe3: {  	v1 =	vand.u32 $0x7F, v1;
	v2 =	vand.u32 $0xFFFFFE00, v2  }
0xe4: {  	v1 =	vor.u32 v2, v1;
	_, v3, vm0 =	vpop (xrf1)  }
0xe5: {  	v1 =	vor.u32 $0x80, v1;
	_ =	sdelay $0x2  }
0xe6: {  	v2 =	vcvt.s32.f32 v3;
	_ =	sdelay $0x1  }
0xe7: {  	s23 =	simm.s32 $0x8170;
	[tilespmem:v1+s15+$0x0] =	vst.idx.add.f32.msk vm0, v2  }
0xe8: {  	[tilespmem:s23+$0xFFFFFF90] =	vst v0  }
0xe9: {  	[tilespmem:s23+$0x0] =	vst v0  }
0xea: {  	[tilespmem:s23+$0xFFFFFFF0] =	vst v0  }
0xeb: {  	[tilespmem:s23+$0xFFFFFFE0] =	vst v0  }
0xec: {  	[tilespmem:s23+$0xFFFFFFD0] =	vst v0  }
0xed: {  	[tilespmem:s23+$0xFFFFFFC0] =	vst v0  }
0xee: {  	s24 =	simm.s32 $0x0;
	[tilespmem:s23+$0xFFFFFFB0] =	vst v0  }
.LBB2_15:
0xef: {  	s24 =	sadd.s32 $0x80, s24;
	[tilespmem:s23+$0xFFFFFFA0] =	vst v0;
	s23 =	sadd.s32 $0x200, s23;
	s22 =	simm.s32 $0x170  }
0xf0: {  	[tilespmem:s23+$0xFFFFFF90] =	vst v0;
	p1 =	slt.u32 s24, $0xF80  }
0xf1: {  	[tilespmem:s23+$0x0] =	vst v0  }
.Ltmp8:
0xf2: {  	[tilespmem:s23+$0xFFFFFFF0] =	vst v0;
	(pc) =	sbr.rel @p1 .LBB2_15-.Ltmp8, $4  }
0xf3: {  	[tilespmem:s23+$0xFFFFFFE0] =	vst v0  }
0xf4: {  	[tilespmem:s23+$0xFFFFFFD0] =	vst v0  }
0xf5: {  	[tilespmem:s23+$0xFFFFFFC0] =	vst v0  }
0xf6: {  	[tilespmem:s23+$0xFFFFFFB0] =	vst v0  }
0xf7: {  	[tilespmem:s23+$0xFFFFFFA0] =	vst v0  }
0xf8: {  	v1 =	vld [tilespmem:s22+$0xFFFFFFC0]  }
0xf9: {  	v2 =	vld [tilespmem:s22+$0xFFFFFFB0]  }
0xfa: {  	v3 =	vld [tilespmem:s22+$0xFFFFFFA0]  }
0xfb: {  	v4 =	vld [tilespmem:s22+$0xFFFFFF90]  }
0xfc: {  	v6 =	vld [tilespmem:s22+$0xFFFFFFD0]  }
0xfd: {  	v5 =	vld [tilespmem:s22+$0x0]  }
0xfe: {  	v7 =	vld [tilespmem:s22+$0xFFFFFFE0];
	(xrf1) =	vunique.msk.u32 $0xffff, v1  }
0xff: {  	v11 =	vld [tilespmem:s22+$0xFFFFFFF0];
	(xrf1) =	vunique.msk.u32 $0xffff, v2  }
0x100: {  	(xrf1) =	vunique.msk.u32 $0xffff, v3  }
0x101: {  	v8 =	vshll.u32 v6, $0x2;
	(xrf1) =	vunique.msk.u32 $0xffff, v4  }
0x102: {  	v9 =	vshll.u32 v3, $0x2;
	v10 =	vshll.u32 v2, $0x2;
	v12 =	vshll.u32 v1, $0x2;
	(xrf1) =	vunique.msk.u32 $0xffff, v6  }
0x103: {  	v13 =	vshll.u32 v4, $0x2;
	v14 =	vand.u32 $0x7F, v1;
	v1 =	vand.u32 $0x7F, v4;
	(xrf1) =	vunique.msk.u32 $0xffff, v5  }
0x104: {  	v17 =	vand.u32 $0x7F, v11;
	v16 =	vand.u32 $0xFFFFFE00, v10;
	v2 =	vand.u32 $0x7F, v2;
	(xrf1) =	vunique.msk.u32 $0xffff, v7  }
0x105: {  	v12 =	vand.u32 $0xFFFFFE00, v12;
	v8 =	vand.u32 $0xFFFFFE00, v8;
	v4 =	vand.u32 $0xFFFFFE00, v13;
	(xrf1) =	vunique.msk.u32 $0xffff, v11  }
0x106: {  	v3 =	vand.u32 $0x7F, v3;
	v13 =	vand.u32 $0x7F, v5;
	v15 =	vor.u32 v4, v1  }
0x107: {  	s31 =	simm.s32 $0x370;
	v1 =	vand.u32 $0xFFFFFE00, v9;
	v9 =	vshll.u32 v7, $0x2;
	v6 =	vand.u32 $0x7F, v6  }
0x108: {  	v10 =	vld [tilespmem:s31+$0xFFFFFFA0];
	v1 =	vor.u32 v1, v3;
	v3 =	vshll.u32 v11, $0x2;
	v9 =	vand.u32 $0xFFFFFE00, v9  }
0x109: {  	v4 =	vld [tilespmem:s31+$0xFFFFFFC0];
	v5 =	vshll.u32 v5, $0x2;
	v7 =	vand.u32 $0x7F, v7;
	v18 =	vand.u32 $0xFFFFFE00, v3  }
0x10a: {  	v3 =	vld [tilespmem:s31+$0xFFFFFFB0];
	v19 =	vor.u32 v18, v17;
	v18 =	vor.u32 v16, v2;
	v2 =	vor.u32 v9, v7  }
0x10b: {  	v17 =	vand.u32 $0xFFFFFE00, v5;
	v7 =	vor.u32 v12, v14;
	v5 =	vor.u32 $0x100, v2  }
0x10c: {  	v12 =	vld [tilespmem:s31+$0xFFFFFF90];
	v2 =	vor.u32 $0x100, v15;
	v15 =	vor.u32 $0x100, v7;
	v7 =	vor.u32 v8, v6;
	_, v9, vm4 =	vpop (xrf1)  }
0x10d: {  	v16 =	vld [tilespmem:s31+$0xFFFFFFD0];
	v20 =	vor.u32 v17, v13;
	_, v14, vm2 =	vpop (xrf1)  }
0x10e: {  	(xrf1) =	vunique.msk.u32 $0xffff, v4;
	v13 =	vcvt.s32.f32 v9;
	_, v9, vm0 =	vpop (xrf1);
	v11 =	vcvt.s32.f32 v14;
	v14 =	vor.u32 $0x100, v18;
	v18 =	vld [tilespmem:s31+$0x0]  }
0x10f: {  	v1 =	vor.u32 $0x100, v1;
	v25 =	vshll.u32 v10, $0x2;
	v8 =	vor.u32 $0x100, v19;
	(xrf1) =	vunique.msk.u32 $0xffff, v3;
	_, v27, vm3 =	vpop (xrf1)  }
0x110: {  	v22 =	vld [tilespmem:s31+$0xFFFFFFE0];
	v21 =	vor.u32 $0x100, v7;
	v24 =	vshll.u32 v4, $0x2;
	v26 =	vshll.u32 v3, $0x2;
	(xrf1) =	vunique.msk.u32 $0xffff, v10;
	_, v7, vm5 =	vpop (xrf1)  }
0x111: {  	v6 =	vcvt.s32.f32 v9;
	(xrf1) =	vunique.msk.u32 $0xffff, v12;
	v9 =	vor.u32 $0x100, v20;
	v20 =	vld [tilespmem:s31+$0xFFFFFFF0];
	v23 =	vcvt.s32.f32 v7;
	_, v7, vm1 =	vpop (xrf1)  }
0x112: {  	s23 =	simm.s32 $0x570;
	s22 =	simm.s32 $0x80;
	v17 =	vshll.u32 v16, $0x2;
	(xrf1) =	vunique.msk.u32 $0xffff, v16;
	v19 =	vcvt.s32.f32 v27;
	v7 =	vcvt.s32.f32 v7;
	_, v27, vm6 =	vpop (xrf1)  }
.LBB2_17:
0x113: {  	s22 =	sadd.s32 $0x80, s22;
	v28 =	vshll.u32 v12, $0x2;
	v29 =	vand.u32 $0x7F, v4;
	v4 =	vld [tilespmem:s23+$0xFFFFFFC0];
	(xrf1) =	vunique.msk.u32 $0xffff, v18;
	v27 =	vcvt.s32.f32 v27;
	_, v30, vm7 =	vpop (xrf1)  }
0x114: {  	v32 =	vand.u32 $0x7F, v12;
	v33 =	vand.u32 $0x7F, v18;
	v34 =	vmovc v1;
	v35 =	vmovc v16;
	v31 =	vld [tilespmem:s23+$0xFFFFFFA0];
	p1 =	slt.u32 s22, $0xF00;
	v28 =	vand.u32 $0xFFFFFE00, v28  }
0x115: {  	v1 =	vand.u32 $0xFFFFFE00, v25;
	v12 =	vld [tilespmem:s23+$0xFFFFFF90];
	v28 =	vor.u32 v28, v32;
	v16 =	vshll.u32 v22, $0x2;
	(xrf1) =	vunique.msk.u32 $0xffff, v22  }
0x116: {  	v10 =	vand.u32 $0x7F, v10;
	v25 =	vand.u32 $0xFFFFFE00, v26;
	(xrf1) =	vunique.msk.u32 $0xffff, v20;
	[tilespmem:v21+s15+$0x0] =	vst.idx.add.f32.msk vm5, v23  }
0x117: {  	v1 =	vor.u32 v1, v10;
	v22 =	vand.u32 $0x7F, v22;
	v21 =	vand.u32 $0x7F, v3;
	v3 =	vld [tilespmem:s23+$0xFFFFFFB0]  }
0x118: {  	v1 =	vor.u32 $0x100, v1;
	v23 =	vand.u32 $0xFFFFFE00, v24;
	v32 =	vshll.u32 v20, $0x2;
	v26 =	vld [tilespmem:s23+$0x0]  }
0x119: {  	v18 =	vshll.u32 v18, $0x2;
	v20 =	vand.u32 $0x7F, v20;
	v24 =	vand.u32 $0xFFFFFE00, v32;
	[tilespmem:v15+s15+$0x0] =	vst.idx.add.f32.msk vm4, v13;
	v10 =	vmovc v31  }
0x11a: {  	v20 =	vor.u32 v24, v20;
	v31 =	vand.u32 $0xFFFFFE00, v16;
	v15 =	vand.u32 $0xFFFFFE00, v18;
	[tilespmem:v5+s15+$0x0] =	vst.idx.add.f32.msk vm6, v27  }
0x11b: {  	v18 =	vor.u32 v25, v21;
	v21 =	vcvt.s32.f32 v30;
	v5 =	vor.u32 v31, v22;
	[tilespmem:v14+s15+$0x0] =	vst.idx.add.f32.msk vm2, v11  }
0x11c: {  	v24 =	vor.u32 v15, v33;
	v14 =	vor.u32 v23, v29;
	v5 =	vor.u32 $0x100, v5;
	v16 =	vld [tilespmem:s23+$0xFFFFFFD0];
	_, v13, vm4 =	vpop (xrf1)  }
0x11d: {  	v15 =	vor.u32 $0x100, v14;
	v13 =	vcvt.s32.f32 v13;
	_, v11, vm2 =	vpop (xrf1);
	[tilespmem:v2+s15+$0x0] =	vst.idx.add.f32.msk vm3, v19;
	v2 =	vor.u32 $0x100, v28  }
0x11e: {  	v17 =	vand.u32 $0xFFFFFE00, v17;
	v22 =	vand.u32 $0x7F, v35;
	v11 =	vcvt.s32.f32 v11;
	[tilespmem:v34+s15+$0x0] =	vst.idx.add.f32.msk vm0, v6;
	_, v6, vm0 =	vpop (xrf1)  }
.Ltmp9:
0x11f: {  	v17 =	vor.u32 v17, v22;
	v14 =	vor.u32 $0x100, v18;
	(xrf1) =	vunique.msk.u32 $0xffff, v4;
	_, v19, vm3 =	vpop (xrf1);
	[tilespmem:v8+s15+$0x0] =	vst.idx.add.f32.msk vm7, v21;
	(pc) =	sbr.rel @p1 .LBB2_17-.Ltmp9, $4  }
0x120: {  	v6 =	vcvt.s32.f32 v6;
	v21 =	vor.u32 $0x100, v17;
	(xrf1) =	vunique.msk.u32 $0xffff, v3;
	_, v8, vm5 =	vpop (xrf1);
	[tilespmem:v9+s15+$0x0] =	vst.idx.add.f32.msk vm1, v7  }
0x121: {  	v17 =	vshll.u32 v16, $0x2;
	v22 =	vld [tilespmem:s23+$0xFFFFFFE0];
	(xrf1) =	vunique.msk.u32 $0xffff, v10;
	v23 =	vcvt.s32.f32 v8;
	v8 =	vor.u32 $0x100, v20;
	_, v7, vm1 =	vpop (xrf1)  }
0x122: {  	v25 =	vshll.u32 v10, $0x2;
	v18 =	vmovc v26;
	v9 =	vor.u32 $0x100, v24;
	v20 =	vld [tilespmem:s23+$0xFFFFFFF0];
	(xrf1) =	vunique.msk.u32 $0xffff, v12;
	v7 =	vcvt.s32.f32 v7  }
0x123: {  	v26 =	vshll.u32 v3, $0x2;
	v24 =	vshll.u32 v4, $0x2;
	v19 =	vcvt.s32.f32 v19;
	s23 =	sadd.s32 $0x200, s23;
	(xrf1) =	vunique.msk.u32 $0xffff, v16;
	_, v27, vm6 =	vpop (xrf1)  }
0x124: {  	_ = 	snop  }
0x125: {  	(xrf1) =	vunique.msk.u32 $0xffff, v18  }
0x126: {  	(xrf1) =	vunique.msk.u32 $0xffff, v22  }
0x127: {  	(xrf1) =	vunique.msk.u32 $0xffff, v20;
	_ =	sdelay $0x1  }
0x128: {  	v28 =	vshll.u32 v12, $0x2;
	v4 =	vand.u32 $0x7F, v4  }
0x129: {  	v27 =	vcvt.s32.f32 v27;
	v38 =	vand.u32 $0x7F, v12;
	v30 =	vand.u32 $0x7F, v18  }
0x12a: {  	v25 =	vand.u32 $0xFFFFFE00, v25;
	v10 =	vand.u32 $0x7F, v10;
	v26 =	vand.u32 $0xFFFFFE00, v26  }
0x12b: {  	v3 =	vand.u32 $0x7F, v3;
	v42 =	vand.u32 $0x7F, v16;
	v43 =	vand.u32 $0xFFFFFE00, v17  }
0x12c: {  	_, v29, vm9 =	vpop (xrf1);
	[tilespmem:v21+s15+$0x0] =	vst.idx.add.f32.msk vm5, v23;
	v45 =	vand.u32 $0xFFFFFE00, v24;
	v55 =	vshll.u32 v18, $0x2;
	v28 =	vand.u32 $0xFFFFFE00, v28  }
0x12d: {  	[tilespmem:v15+s15+$0x0] =	vst.idx.add.f32.msk vm4, v13;
	v13 =	vor.u32 v43, v42;
	v4 =	vor.u32 v45, v4;
	v51 =	vcvt.s32.f32 v29;
	_, v39, vm8 =	vpop (xrf1)  }
0x12e: {  	[tilespmem:v14+s15+$0x0] =	vst.idx.add.f32.msk vm2, v11;
	v3 =	vor.u32 v26, v3;
	v57 =	vand.u32 $0xFFFFFE00, v55;
	v12 =	vor.u32 v28, v38;
	_, v32, vm7 =	vpop (xrf1)  }
0x12f: {  	[tilespmem:v1+s15+$0x0] =	vst.idx.add.f32.msk vm0, v6;
	v31 =	vshll.u32 v22, $0x2;
	v40 =	vand.u32 $0x7F, v22;
	v4 =	vor.u32 $0x100, v4;
	_, v41, vm12 =	vpop (xrf1)  }
0x130: {  	[tilespmem:v9+s15+$0x0] =	vst.idx.add.f32.msk vm1, v7;
	v49 =	vor.u32 $0x100, v13;
	v3 =	vor.u32 $0x100, v3;
	v59 =	vor.u32 v57, v30;
	_, v44, vm13 =	vpop (xrf1)  }
0x131: {  	[tilespmem:v2+s15+$0x0] =	vst.idx.add.f32.msk vm3, v19;
	v46 =	vshll.u32 v20, $0x2;
	v48 =	vand.u32 $0xFFFFFE00, v31;
	v12 =	vor.u32 $0x100, v12;
	_, v47, vm14 =	vpop (xrf1)  }
0x132: {  	[tilespmem:v5+s15+$0x0] =	vst.idx.add.f32.msk vm6, v27;
	v1 =	vand.u32 $0x7F, v20;
	v61 =	vor.u32 $0x100, v59;
	v56 =	vcvt.s32.f32 v39;
	_, v11, vm2 =	vpop (xrf1)  }
0x133: {  	v50 =	vor.u32 v48, v40;
	v53 =	vand.u32 $0xFFFFFE00, v46;
	[tilespmem:v8+s15+$0x0] =	vst.idx.add.f32.msk vm9, v51;
	v60 =	vcvt.s32.f32 v32;
	_, v2, vm3 =	vpop (xrf1)  }
0x134: {  	v52 =	vor.u32 $0x100, v50;
	v1 =	vor.u32 v53, v1;
	v62 =	vcvt.s32.f32 v44;
	[tilespmem:v4+s15+$0x0] =	vst.idx.add.f32.msk vm8, v56;
	_, v58, vm15 =	vpop (xrf1)  }
0x135: {  	v10 =	vor.u32 v25, v10;
	v1 =	vor.u32 $0x100, v1;
	v54 =	vcvt.s32.f32 v47;
	[tilespmem:v3+s15+$0x0] =	vst.idx.add.f32.msk vm7, v60  }
0x136: {  	v10 =	vor.u32 $0x100, v10;
	v63 =	vcvt.s32.f32 v11;
	[tilespmem:v12+s15+$0x0] =	vst.idx.add.f32.msk vm13, v62  }
0x137: {  	v2 =	vcvt.s32.f32 v2;
	[tilespmem:v49+s15+$0x0] =	vst.idx.add.f32.msk vm14, v54  }
0x138: {  	v3 =	vcvt.s32.f32 v58;
	[tilespmem:v61+s15+$0x0] =	vst.idx.add.f32.msk vm2, v63  }
0x139: {  	[tilespmem:v52+s15+$0x0] =	vst.idx.add.f32.msk vm3, v2;
	v2 =	vcvt.s32.f32 v41  }
0x13a: {  	[tilespmem:v1+s15+$0x0] =	vst.idx.add.f32.msk vm15, v3  }
0x13b: {  	s22 =	simm.s32 $0x100;
	s23 =	simm.s32 $0xF70;
	s24 =	simm.s32 $0x3E00;
	[tilespmem:v10+s15+$0x0] =	vst.idx.add.f32.msk vm12, v2  }
.LBB2_19:
0x13c: {  	s25 =	sand.u32 $0x3FFFFE00, s24  }
0x13d: {  	s25 =	sadd.s32 s25, s22  }
0x13e: {  	v1 =	vld [tilespmem:s25+$0x0];
	_ =	sdelay $0x4  }
0x13f: {  	(xrf1) =	vunique.msk.u32 $0xffff, v1;
	_ =	sdelay $0xb  }
0x140: {  	v2 =	vshll.u32 v1, $0x2  }
0x141: {  	v1 =	vand.u32 $0x7F, v1;
	v2 =	vand.u32 $0xFFFFFE00, v2  }
0x142: {  	s23 =	sadd.s32 $0x10, s23;
	v1 =	vor.u32 v2, v1;
	_, v3, vm0 =	vpop (xrf1)  }
0x143: {  	p1 =	slt.u32 s23, $0xFE0;
	v1 =	vor.u32 $0x100, v1  }
.Ltmp10:
0x144: {  	_ = 	snop;
	(pc) =	sbr.rel @p1 .LBB2_19-.Ltmp10, $3  }
0x145: {  	_ = 	snop  }
0x146: {  	v2 =	vcvt.s32.f32 v3;
	_ =	sdelay $0x1  }
0x147: {  	s24 =	sadd.s32 $0x40, s24;
	s22 =	sadd.s32 $0x10, s22;
	[tilespmem:v1+s15+$0x0] =	vst.idx.add.f32.msk vm0, v2  }
0x148: {  	v1 =	vld [tilespmem:$0x3F70];
	_ =	sdelay $0x4  }
0x149: {  	(xrf1) =	vunique.msk.u32 $0x7ff, v1;
	_ =	sdelay $0xb  }
0x14a: {  	v2 =	vshll.u32 v1, $0x2  }
0x14b: {  	v1 =	vand.u32 $0x7F, v1;
	v2 =	vand.u32 $0xFFFFFE00, v2  }
0x14c: {  	v1 =	vor.u32 v2, v1;
	_, v3, vm0 =	vpop (xrf1)  }
0x14d: {  	v1 =	vor.u32 $0x100, v1;
	_ =	sdelay $0x2  }
0x14e: {  	v2 =	vcvt.s32.f32 v3;
	_ =	sdelay $0x1  }
0x14f: {  	s23 =	simm.s32 $0x81F0;
	[tilespmem:v1+s15+$0x0] =	vst.idx.add.f32.msk vm0, v2  }
0x150: {  	[tilespmem:s23+$0xFFFFFF90] =	vst v0  }
0x151: {  	[tilespmem:s23+$0x0] =	vst v0  }
0x152: {  	[tilespmem:s23+$0xFFFFFFF0] =	vst v0  }
0x153: {  	[tilespmem:s23+$0xFFFFFFE0] =	vst v0  }
0x154: {  	[tilespmem:s23+$0xFFFFFFD0] =	vst v0  }
0x155: {  	[tilespmem:s23+$0xFFFFFFC0] =	vst v0  }
0x156: {  	s24 =	simm.s32 $0x0;
	[tilespmem:s23+$0xFFFFFFB0] =	vst v0  }
.LBB2_21:
0x157: {  	s24 =	sadd.s32 $0x80, s24;
	[tilespmem:s23+$0xFFFFFFA0] =	vst v0;
	s23 =	sadd.s32 $0x200, s23;
	s22 =	simm.s32 $0x1F0  }
0x158: {  	[tilespmem:s23+$0xFFFFFF90] =	vst v0;
	p1 =	slt.u32 s24, $0xF80  }
0x159: {  	[tilespmem:s23+$0x0] =	vst v0  }
.Ltmp11:
0x15a: {  	[tilespmem:s23+$0xFFFFFFF0] =	vst v0;
	(pc) =	sbr.rel @p1 .LBB2_21-.Ltmp11, $4  }
0x15b: {  	[tilespmem:s23+$0xFFFFFFE0] =	vst v0  }
0x15c: {  	[tilespmem:s23+$0xFFFFFFD0] =	vst v0  }
0x15d: {  	[tilespmem:s23+$0xFFFFFFC0] =	vst v0  }
0x15e: {  	[tilespmem:s23+$0xFFFFFFB0] =	vst v0  }
0x15f: {  	[tilespmem:s23+$0xFFFFFFA0] =	vst v0  }
0x160: {  	v1 =	vld [tilespmem:s22+$0xFFFFFFC0]  }
0x161: {  	v2 =	vld [tilespmem:s22+$0xFFFFFFB0]  }
0x162: {  	v3 =	vld [tilespmem:s22+$0xFFFFFFA0]  }
0x163: {  	v4 =	vld [tilespmem:s22+$0xFFFFFF90]  }
0x164: {  	v6 =	vld [tilespmem:s22+$0xFFFFFFD0]  }
0x165: {  	v5 =	vld [tilespmem:s22+$0x0]  }
0x166: {  	v7 =	vld [tilespmem:s22+$0xFFFFFFE0];
	(xrf1) =	vunique.msk.u32 $0xffff, v1  }
0x167: {  	v11 =	vld [tilespmem:s22+$0xFFFFFFF0];
	(xrf1) =	vunique.msk.u32 $0xffff, v2  }
0x168: {  	(xrf1) =	vunique.msk.u32 $0xffff, v3  }
0x169: {  	v8 =	vshll.u32 v6, $0x2;
	(xrf1) =	vunique.msk.u32 $0xffff, v4  }
0x16a: {  	v9 =	vshll.u32 v3, $0x2;
	v10 =	vshll.u32 v2, $0x2;
	v12 =	vshll.u32 v1, $0x2;
	(xrf1) =	vunique.msk.u32 $0xffff, v6  }
0x16b: {  	v13 =	vshll.u32 v4, $0x2;
	v14 =	vand.u32 $0x7F, v1;
	v1 =	vand.u32 $0x7F, v4;
	(xrf1) =	vunique.msk.u32 $0xffff, v5  }
0x16c: {  	v17 =	vand.u32 $0x7F, v11;
	v16 =	vand.u32 $0xFFFFFE00, v10;
	v2 =	vand.u32 $0x7F, v2;
	(xrf1) =	vunique.msk.u32 $0xffff, v7  }
0x16d: {  	v12 =	vand.u32 $0xFFFFFE00, v12;
	v8 =	vand.u32 $0xFFFFFE00, v8;
	v4 =	vand.u32 $0xFFFFFE00, v13;
	(xrf1) =	vunique.msk.u32 $0xffff, v11  }
0x16e: {  	v3 =	vand.u32 $0x7F, v3;
	v13 =	vand.u32 $0x7F, v5;
	v15 =	vor.u32 v4, v1  }
0x16f: {  	s31 =	simm.s32 $0x3F0;
	v1 =	vand.u32 $0xFFFFFE00, v9;
	v9 =	vshll.u32 v7, $0x2;
	v6 =	vand.u32 $0x7F, v6  }
0x170: {  	v10 =	vld [tilespmem:s31+$0xFFFFFFA0];
	v1 =	vor.u32 v1, v3;
	v3 =	vshll.u32 v11, $0x2;
	v9 =	vand.u32 $0xFFFFFE00, v9  }
0x171: {  	v4 =	vld [tilespmem:s31+$0xFFFFFFC0];
	v5 =	vshll.u32 v5, $0x2;
	v7 =	vand.u32 $0x7F, v7;
	v18 =	vand.u32 $0xFFFFFE00, v3  }
0x172: {  	v3 =	vld [tilespmem:s31+$0xFFFFFFB0];
	v19 =	vor.u32 v18, v17;
	v18 =	vor.u32 v16, v2;
	v2 =	vor.u32 v9, v7  }
0x173: {  	v17 =	vand.u32 $0xFFFFFE00, v5;
	v7 =	vor.u32 v12, v14;
	v5 =	vor.u32 $0x180, v2  }
0x174: {  	v12 =	vld [tilespmem:s31+$0xFFFFFF90];
	v2 =	vor.u32 $0x180, v15;
	v15 =	vor.u32 $0x180, v7;
	v7 =	vor.u32 v8, v6;
	_, v9, vm4 =	vpop (xrf1)  }
0x175: {  	v16 =	vld [tilespmem:s31+$0xFFFFFFD0];
	v20 =	vor.u32 v17, v13;
	_, v14, vm2 =	vpop (xrf1)  }
0x176: {  	(xrf1) =	vunique.msk.u32 $0xffff, v4;
	v13 =	vcvt.s32.f32 v9;
	_, v9, vm0 =	vpop (xrf1);
	v11 =	vcvt.s32.f32 v14;
	v14 =	vor.u32 $0x180, v18;
	v18 =	vld [tilespmem:s31+$0x0]  }
0x177: {  	v1 =	vor.u32 $0x180, v1;
	v25 =	vshll.u32 v10, $0x2;
	v8 =	vor.u32 $0x180, v19;
	(xrf1) =	vunique.msk.u32 $0xffff, v3;
	_, v27, vm3 =	vpop (xrf1)  }
0x178: {  	v22 =	vld [tilespmem:s31+$0xFFFFFFE0];
	v21 =	vor.u32 $0x180, v7;
	v24 =	vshll.u32 v4, $0x2;
	v26 =	vshll.u32 v3, $0x2;
	(xrf1) =	vunique.msk.u32 $0xffff, v10;
	_, v7, vm5 =	vpop (xrf1)  }
0x179: {  	v6 =	vcvt.s32.f32 v9;
	(xrf1) =	vunique.msk.u32 $0xffff, v12;
	v9 =	vor.u32 $0x180, v20;
	v20 =	vld [tilespmem:s31+$0xFFFFFFF0];
	v23 =	vcvt.s32.f32 v7;
	_, v7, vm1 =	vpop (xrf1)  }
0x17a: {  	s23 =	simm.s32 $0x5F0;
	s22 =	simm.s32 $0x80;
	v17 =	vshll.u32 v16, $0x2;
	(xrf1) =	vunique.msk.u32 $0xffff, v16;
	v19 =	vcvt.s32.f32 v27;
	v7 =	vcvt.s32.f32 v7;
	_, v27, vm6 =	vpop (xrf1)  }
.LBB2_23:
0x17b: {  	s22 =	sadd.s32 $0x80, s22;
	v28 =	vshll.u32 v12, $0x2;
	v29 =	vand.u32 $0x7F, v4;
	v4 =	vld [tilespmem:s23+$0xFFFFFFC0];
	(xrf1) =	vunique.msk.u32 $0xffff, v18;
	v27 =	vcvt.s32.f32 v27;
	_, v30, vm7 =	vpop (xrf1)  }
0x17c: {  	v32 =	vand.u32 $0x7F, v12;
	v33 =	vand.u32 $0x7F, v18;
	v34 =	vmovc v1;
	v35 =	vmovc v16;
	v31 =	vld [tilespmem:s23+$0xFFFFFFA0];
	p1 =	slt.u32 s22, $0xF00;
	v28 =	vand.u32 $0xFFFFFE00, v28  }
0x17d: {  	v1 =	vand.u32 $0xFFFFFE00, v25;
	v12 =	vld [tilespmem:s23+$0xFFFFFF90];
	v28 =	vor.u32 v28, v32;
	v16 =	vshll.u32 v22, $0x2;
	(xrf1) =	vunique.msk.u32 $0xffff, v22  }
0x17e: {  	v10 =	vand.u32 $0x7F, v10;
	v25 =	vand.u32 $0xFFFFFE00, v26;
	(xrf1) =	vunique.msk.u32 $0xffff, v20;
	[tilespmem:v21+s15+$0x0] =	vst.idx.add.f32.msk vm5, v23  }
0x17f: {  	v1 =	vor.u32 v1, v10;
	v22 =	vand.u32 $0x7F, v22;
	v21 =	vand.u32 $0x7F, v3;
	v3 =	vld [tilespmem:s23+$0xFFFFFFB0]  }
0x180: {  	v1 =	vor.u32 $0x180, v1;
	v23 =	vand.u32 $0xFFFFFE00, v24;
	v32 =	vshll.u32 v20, $0x2;
	v26 =	vld [tilespmem:s23+$0x0]  }
0x181: {  	v18 =	vshll.u32 v18, $0x2;
	v20 =	vand.u32 $0x7F, v20;
	v24 =	vand.u32 $0xFFFFFE00, v32;
	[tilespmem:v15+s15+$0x0] =	vst.idx.add.f32.msk vm4, v13;
	v10 =	vmovc v31  }
0x182: {  	v20 =	vor.u32 v24, v20;
	v31 =	vand.u32 $0xFFFFFE00, v16;
	v15 =	vand.u32 $0xFFFFFE00, v18;
	[tilespmem:v5+s15+$0x0] =	vst.idx.add.f32.msk vm6, v27  }
0x183: {  	v18 =	vor.u32 v25, v21;
	v21 =	vcvt.s32.f32 v30;
	v5 =	vor.u32 v31, v22;
	[tilespmem:v14+s15+$0x0] =	vst.idx.add.f32.msk vm2, v11  }
0x184: {  	v24 =	vor.u32 v15, v33;
	v14 =	vor.u32 v23, v29;
	v5 =	vor.u32 $0x180, v5;
	v16 =	vld [tilespmem:s23+$0xFFFFFFD0];
	_, v13, vm4 =	vpop (xrf1)  }
0x185: {  	v15 =	vor.u32 $0x180, v14;
	v13 =	vcvt.s32.f32 v13;
	_, v11, vm2 =	vpop (xrf1);
	[tilespmem:v2+s15+$0x0] =	vst.idx.add.f32.msk vm3, v19;
	v2 =	vor.u32 $0x180, v28  }
0x186: {  	v17 =	vand.u32 $0xFFFFFE00, v17;
	v22 =	vand.u32 $0x7F, v35;
	v11 =	vcvt.s32.f32 v11;
	[tilespmem:v34+s15+$0x0] =	vst.idx.add.f32.msk vm0, v6;
	_, v6, vm0 =	vpop (xrf1)  }
.Ltmp12:
0x187: {  	v17 =	vor.u32 v17, v22;
	v14 =	vor.u32 $0x180, v18;
	(xrf1) =	vunique.msk.u32 $0xffff, v4;
	_, v19, vm3 =	vpop (xrf1);
	[tilespmem:v8+s15+$0x0] =	vst.idx.add.f32.msk vm7, v21;
	(pc) =	sbr.rel @p1 .LBB2_23-.Ltmp12, $4  }
0x188: {  	v6 =	vcvt.s32.f32 v6;
	v21 =	vor.u32 $0x180, v17;
	(xrf1) =	vunique.msk.u32 $0xffff, v3;
	_, v8, vm5 =	vpop (xrf1);
	[tilespmem:v9+s15+$0x0] =	vst.idx.add.f32.msk vm1, v7  }
0x189: {  	v17 =	vshll.u32 v16, $0x2;
	v22 =	vld [tilespmem:s23+$0xFFFFFFE0];
	(xrf1) =	vunique.msk.u32 $0xffff, v10;
	v23 =	vcvt.s32.f32 v8;
	v8 =	vor.u32 $0x180, v20;
	_, v7, vm1 =	vpop (xrf1)  }
0x18a: {  	v25 =	vshll.u32 v10, $0x2;
	v18 =	vmovc v26;
	v9 =	vor.u32 $0x180, v24;
	v20 =	vld [tilespmem:s23+$0xFFFFFFF0];
	(xrf1) =	vunique.msk.u32 $0xffff, v12;
	v7 =	vcvt.s32.f32 v7  }
0x18b: {  	v26 =	vshll.u32 v3, $0x2;
	v24 =	vshll.u32 v4, $0x2;
	v19 =	vcvt.s32.f32 v19;
	s23 =	sadd.s32 $0x200, s23;
	(xrf1) =	vunique.msk.u32 $0xffff, v16;
	_, v27, vm6 =	vpop (xrf1)  }
0x18c: {  	_ = 	snop  }
0x18d: {  	(xrf1) =	vunique.msk.u32 $0xffff, v18  }
0x18e: {  	(xrf1) =	vunique.msk.u32 $0xffff, v22  }
0x18f: {  	(xrf1) =	vunique.msk.u32 $0xffff, v20;
	_ =	sdelay $0x1  }
0x190: {  	v28 =	vshll.u32 v12, $0x2;
	v4 =	vand.u32 $0x7F, v4  }
0x191: {  	v27 =	vcvt.s32.f32 v27;
	v38 =	vand.u32 $0x7F, v12;
	v30 =	vand.u32 $0x7F, v18  }
0x192: {  	v25 =	vand.u32 $0xFFFFFE00, v25;
	v10 =	vand.u32 $0x7F, v10;
	v26 =	vand.u32 $0xFFFFFE00, v26  }
0x193: {  	v3 =	vand.u32 $0x7F, v3;
	v42 =	vand.u32 $0x7F, v16;
	v43 =	vand.u32 $0xFFFFFE00, v17  }
0x194: {  	_, v29, vm9 =	vpop (xrf1);
	[tilespmem:v21+s15+$0x0] =	vst.idx.add.f32.msk vm5, v23;
	v45 =	vand.u32 $0xFFFFFE00, v24;
	v55 =	vshll.u32 v18, $0x2;
	v28 =	vand.u32 $0xFFFFFE00, v28  }
0x195: {  	[tilespmem:v15+s15+$0x0] =	vst.idx.add.f32.msk vm4, v13;
	v13 =	vor.u32 v43, v42;
	v4 =	vor.u32 v45, v4;
	v51 =	vcvt.s32.f32 v29;
	_, v39, vm8 =	vpop (xrf1)  }
0x196: {  	[tilespmem:v14+s15+$0x0] =	vst.idx.add.f32.msk vm2, v11;
	v3 =	vor.u32 v26, v3;
	v57 =	vand.u32 $0xFFFFFE00, v55;
	v12 =	vor.u32 v28, v38;
	_, v32, vm7 =	vpop (xrf1)  }
0x197: {  	[tilespmem:v1+s15+$0x0] =	vst.idx.add.f32.msk vm0, v6;
	v31 =	vshll.u32 v22, $0x2;
	v40 =	vand.u32 $0x7F, v22;
	v4 =	vor.u32 $0x180, v4;
	_, v41, vm12 =	vpop (xrf1)  }
0x198: {  	[tilespmem:v9+s15+$0x0] =	vst.idx.add.f32.msk vm1, v7;
	v49 =	vor.u32 $0x180, v13;
	v3 =	vor.u32 $0x180, v3;
	v59 =	vor.u32 v57, v30;
	_, v44, vm13 =	vpop (xrf1)  }
0x199: {  	[tilespmem:v2+s15+$0x0] =	vst.idx.add.f32.msk vm3, v19;
	v46 =	vshll.u32 v20, $0x2;
	v48 =	vand.u32 $0xFFFFFE00, v31;
	v12 =	vor.u32 $0x180, v12;
	_, v47, vm14 =	vpop (xrf1)  }
0x19a: {  	[tilespmem:v5+s15+$0x0] =	vst.idx.add.f32.msk vm6, v27;
	v1 =	vand.u32 $0x7F, v20;
	v61 =	vor.u32 $0x180, v59;
	v56 =	vcvt.s32.f32 v39;
	_, v11, vm2 =	vpop (xrf1)  }
0x19b: {  	v50 =	vor.u32 v48, v40;
	v53 =	vand.u32 $0xFFFFFE00, v46;
	[tilespmem:v8+s15+$0x0] =	vst.idx.add.f32.msk vm9, v51;
	v60 =	vcvt.s32.f32 v32;
	_, v2, vm3 =	vpop (xrf1)  }
0x19c: {  	v52 =	vor.u32 $0x180, v50;
	v1 =	vor.u32 v53, v1;
	v62 =	vcvt.s32.f32 v44;
	[tilespmem:v4+s15+$0x0] =	vst.idx.add.f32.msk vm8, v56;
	_, v58, vm15 =	vpop (xrf1)  }
0x19d: {  	v10 =	vor.u32 v25, v10;
	v1 =	vor.u32 $0x180, v1;
	v54 =	vcvt.s32.f32 v47;
	[tilespmem:v3+s15+$0x0] =	vst.idx.add.f32.msk vm7, v60  }
0x19e: {  	v10 =	vor.u32 $0x180, v10;
	v63 =	vcvt.s32.f32 v11;
	[tilespmem:v12+s15+$0x0] =	vst.idx.add.f32.msk vm13, v62  }
0x19f: {  	v2 =	vcvt.s32.f32 v2;
	[tilespmem:v49+s15+$0x0] =	vst.idx.add.f32.msk vm14, v54  }
0x1a0: {  	v3 =	vcvt.s32.f32 v58;
	[tilespmem:v61+s15+$0x0] =	vst.idx.add.f32.msk vm2, v63  }
0x1a1: {  	[tilespmem:v52+s15+$0x0] =	vst.idx.add.f32.msk vm3, v2;
	v2 =	vcvt.s32.f32 v41  }
0x1a2: {  	[tilespmem:v1+s15+$0x0] =	vst.idx.add.f32.msk vm15, v3  }
0x1a3: {  	s22 =	simm.s32 $0x180;
	s23 =	simm.s32 $0xF70;
	s24 =	simm.s32 $0x3E00;
	[tilespmem:v10+s15+$0x0] =	vst.idx.add.f32.msk vm12, v2  }
.LBB2_25:
0x1a4: {  	s25 =	sand.u32 $0x3FFFFE00, s24  }
0x1a5: {  	s25 =	sadd.s32 s25, s22  }
0x1a6: {  	v1 =	vld [tilespmem:s25+$0x0];
	_ =	sdelay $0x4  }
0x1a7: {  	(xrf1) =	vunique.msk.u32 $0xffff, v1;
	_ =	sdelay $0xb  }
0x1a8: {  	v2 =	vshll.u32 v1, $0x2  }
0x1a9: {  	v1 =	vand.u32 $0x7F, v1;
	v2 =	vand.u32 $0xFFFFFE00, v2  }
0x1aa: {  	s23 =	sadd.s32 $0x10, s23;
	v1 =	vor.u32 v2, v1;
	_, v3, vm0 =	vpop (xrf1)  }
0x1ab: {  	p1 =	slt.u32 s23, $0xFE0;
	v1 =	vor.u32 $0x180, v1  }
.Ltmp13:
0x1ac: {  	_ = 	snop;
	(pc) =	sbr.rel @p1 .LBB2_25-.Ltmp13, $3  }
0x1ad: {  	_ = 	snop  }
0x1ae: {  	v2 =	vcvt.s32.f32 v3;
	_ =	sdelay $0x1  }
0x1af: {  	s24 =	sadd.s32 $0x40, s24;
	s22 =	sadd.s32 $0x10, s22;
	[tilespmem:v1+s15+$0x0] =	vst.idx.add.f32.msk vm0, v2  }
0x1b0: {  	v1 =	vld [tilespmem:$0x3FF0];
	_ =	sdelay $0x4  }
0x1b1: {  	(xrf1) =	vunique.msk.u32 $0x7ff, v1;
	_ =	sdelay $0xb  }
0x1b2: {  	v2 =	vshll.u32 v1, $0x2  }
0x1b3: {  	v1 =	vand.u32 $0x7F, v1;
	v2 =	vand.u32 $0xFFFFFE00, v2  }
0x1b4: {  	v1 =	vor.u32 v2, v1;
	_, v3, vm0 =	vpop (xrf1)  }
0x1b5: {  	v1 =	vor.u32 $0x180, v1  }
0x1b6: {  	p1 =	sne.s32 s21, $0x3  }
.Ltmp14:
0x1b7: {  	_ = 	snop;
	(pc) =	sbr.rel @p1 .LBB2_28-.Ltmp14, $4  }
0x1b8: {  	s22 =	sshll.u32 s21, $0xC;
	v2 =	vcvt.s32.f32 v3  }
0x1b9: {  	s22 =	sor.u32 s4, s22  }
0x1ba: {  	s23 =	sadd.s32 s2, s22;
	[tilespmem:v1+s15+$0x0] =	vst.idx.add.f32.msk vm0, v2  }
0x1bb: {  	[hbm4b:s23+s11] =	stream.strided.scatter [tilespmem:s15], [sflag:$0x3], $0x4000, s12, s11, $0x38;
	[tilespmem:$0x10000] =	vst v63  }
.Ltmp15:
0x1bc: {  	(pc) =	sbr.rel .LBB2_29-.Ltmp15, $4  }
0x1bd: {  	_ = 	snop  }
0x1be: {  	_ =	swait.ge [sflag:s16], $0x4000  }
0x1bf: {  	[sflag:s16] =	ssyncset.done $0x0  }
0x1c0: {  	[sflag:s16] =	ssyncadd.s32 $0xFFFFC000  }
.LBB2_28:
.Ltmp16:
0x1c1: {  	s23 =	sadd.s32 s22, s7;
	(pc) =	sbr.rel @p0 .LBB2_30-.Ltmp16, $4  }
0x1c2: {  	[tilespmem:s3], [sflag:$0x1] =	stream.strided.gather [hbm4b:s23+s11], $0x4000, s12, s11, $0x38;
	[tilespmem:$0x10000] =	vst v63  }
0x1c3: {  	_ =	swait.ge [sflag:s16], $0x4000  }
0x1c4: {  	[sflag:s16] =	ssyncset.done $0x0  }
0x1c5: {  	[sflag:s16] =	ssyncadd.s32 $0xFFFFC000  }
.LBB2_29:
0x1c6: {  	_ =	swait.ge [sflag:s17], $0x4000  }
0x1c7: {  	[sflag:s17] =	ssyncset.done $0x0  }
0x1c8: {  	[sflag:s17] =	ssyncadd.s32 $0xFFFFC000  }
.LBB2_30:
0x1c9: {  	s24 =	simm.s32 $0xC040  }
0x1ca: {  	[tilespmem:s24+$0xFFFFFFC0] =	vst v0  }
0x1cb: {  	[tilespmem:s24+$0x30] =	vst v0  }
0x1cc: {  	[tilespmem:s24+$0x20] =	vst v0  }
0x1cd: {  	[tilespmem:s24+$0x10] =	vst v0  }
0x1ce: {  	[tilespmem:s24+$0x0] =	vst v0  }
0x1cf: {  	[tilespmem:s24+$0xFFFFFFF0] =	vst v0  }
0x1d0: {  	s25 =	simm.s32 $0x0;
	[tilespmem:s24+$0xFFFFFFE0] =	vst v0  }
.LBB2_31:
0x1d1: {  	s25 =	sadd.s32 $0x80, s25;
	[tilespmem:s24+$0xFFFFFFD0] =	vst v0;
	s24 =	sadd.s32 $0x200, s24;
	s23 =	simm.s32 $0x4040  }
0x1d2: {  	[tilespmem:s24+$0xFFFFFFC0] =	vst v0;
	p0 =	slt.u32 s25, $0xF80  }
0x1d3: {  	[tilespmem:s24+$0x30] =	vst v0  }
.Ltmp17:
0x1d4: {  	[tilespmem:s24+$0x20] =	vst v0;
	(pc) =	sbr.rel @p0 .LBB2_31-.Ltmp17, $4  }
0x1d5: {  	[tilespmem:s24+$0x10] =	vst v0  }
0x1d6: {  	[tilespmem:s24+$0x0] =	vst v0  }
0x1d7: {  	[tilespmem:s24+$0xFFFFFFF0] =	vst v0  }
0x1d8: {  	[tilespmem:s24+$0xFFFFFFE0] =	vst v0  }
0x1d9: {  	[tilespmem:s24+$0xFFFFFFD0] =	vst v0  }
0x1da: {  	v5 =	vld [tilespmem:s23+$0xFFFFFFE0];
	_ =	sdelay $0x2  }
0x1db: {  	v6 =	vld [tilespmem:s23+$0xFFFFFFD0]  }
0x1dc: {  	v8 =	vld [tilespmem:s23+$0xFFFFFFF0]  }
0x1dd: {  	v10 =	vld [tilespmem:s23+$0x30];
	(xrf1) =	vunique.msk.u32 $0xffff, v5  }
0x1de: {  	v21 =	vld [tilespmem:s23+$0x20]  }
0x1df: {  	v7 =	vld [tilespmem:s23+$0x10]  }
0x1e0: {  	v13 =	vld [tilespmem:s23+$0x0];
	(xrf1) =	vunique.msk.u32 $0xffff, v6  }
0x1e1: {  	(xrf1) =	vunique.msk.u32 $0xffff, v8  }
0x1e2: {  	s31 =	simm.s32 $0x4240;
	v15 =	vld [tilespmem:s23+$0xFFFFFFC0];
	(xrf1) =	vunique.msk.u32 $0xffff, v10  }
0x1e3: {  	v2 =	vld [tilespmem:s31+$0xFFFFFFE0];
	(xrf1) =	vunique.msk.u32 $0xffff, v21  }
0x1e4: {  	v1 =	vshll.u32 v6, $0x2;
	(xrf1) =	vunique.msk.u32 $0xffff, v7  }
0x1e5: {  	v17 =	vand.u32 $0xFFFFFE00, v1;
	v1 =	vld [tilespmem:s31+$0xFFFFFFF0];
	(xrf1) =	vunique.msk.u32 $0xffff, v13  }
0x1e6: {  	v3 =	vshll.u32 v5, $0x2  }
0x1e7: {  	v4 =	vld [tilespmem:s31+$0xFFFFFFD0];
	v9 =	vshll.u32 v7, $0x2;
	v22 =	vshll.u32 v10, $0x2;
	v11 =	vshll.u32 v13, $0x2;
	(xrf1) =	vunique.msk.u32 $0xffff, v15  }
0x1e8: {  	v18 =	vshll.u32 v2, $0x2;
	v5 =	vand.u32 $0x7F, v5;
	v12 =	vand.u32 $0xFFFFFE00, v3  }
0x1e9: {  	v3 =	vshll.u32 v8, $0x2;
	v9 =	vand.u32 $0xFFFFFE00, v9;
	v24 =	vand.u32 $0xFFFFFE00, v11  }
0x1ea: {  	v16 =	vand.u32 $0xFFFFFE00, v3;
	v3 =	vand.u32 $0x7F, v7;
	v20 =	vshll.u32 v1, $0x2  }
0x1eb: {  	v11 =	vld [tilespmem:s31+$0x30];
	v6 =	vand.u32 $0x7F, v6;
	v3 =	vor.u32 v3, v9;
	v9 =	vshll.u32 v21, $0x2;
	_, v19, vm0 =	vpop (xrf1)  }
0x1ec: {  	v26 =	vor.u32 v5, v12;
	v14 =	vand.u32 $0xFFFFFE00, v9;
	v9 =	vshll.u32 v4, $0x2  }
0x1ed: {  	v25 =	vand.u32 $0x7F, v10;
	v5 =	vld [tilespmem:s31+$0xFFFFFFC0];
	v17 =	vor.u32 v6, v17;
	v9 =	vand.u32 $0xFFFFFE00, v9;
	(xrf1) =	vunique.msk.u32 $0xffff, v2  }
0x1ee: {  	v7 =	vand.u32 $0xFFFFFE00, v18;
	v18 =	vand.u32 $0x7F, v8;
	v8 =	vld [tilespmem:s31+$0x20];
	v12 =	vand.u32 $0xFFFFFE00, v20;
	_, v20, vm1 =	vpop (xrf1)  }
0x1ef: {  	v16 =	vor.u32 v18, v16;
	v18 =	vld [tilespmem:s31+$0x10];
	v13 =	vand.u32 $0x7F, v13;
	v27 =	vcvt.s32.f32 v19;
	_, v23, vm2 =	vpop (xrf1)  }
0x1f0: {  	v6 =	vld [tilespmem:s31+$0x0];
	v10 =	vshll.u32 v11, $0x2;
	v13 =	vor.u32 v13, v24;
	v24 =	vand.u32 $0x7F, v21;
	(xrf1) =	vunique.msk.u32 $0xffff, v4;
	_, v21, vm3 =	vpop (xrf1)  }
0x1f1: {  	s24 =	simm.s32 $0x4440;
	s23 =	simm.s32 $0x80;
	v19 =	vand.u32 $0x7F, v15;
	(xrf1) =	vunique.msk.u32 $0xffff, v1;
	[tilespmem:v26+s18+$0x0] =	vst.idx.add.f32.msk vm0, v27;
	v26 =	vand.u32 $0xFFFFFE00, v22;
	_, v22, vm0 =	vpop (xrf1)  }
.LBB2_33:
0x1f2: {  	v27 =	vld [tilespmem:s24+$0xFFFFFFE0];
	s23 =	sadd.s32 $0x80, s23;
	(xrf1) =	vunique.msk.u32 $0xffff, v11;
	v15 =	vshll.u32 v15, $0x2;
	v24 =	vor.u32 v24, v14;
	v14 =	vor.u32 v25, v26;
	_, v25, vm5 =	vpop (xrf1)  }
0x1f3: {  	v20 =	vcvt.s32.f32 v20;
	v23 =	vcvt.s32.f32 v23;
	v26 =	vld [tilespmem:s24+$0xFFFFFFD0];
	p0 =	slt.u32 s23, $0xF00;
	(xrf1) =	vunique.msk.u32 $0xffff, v8;
	v15 =	vand.u32 $0xFFFFFE00, v15;
	_, v28, vm4 =	vpop (xrf1)  }
0x1f4: {  	v29 =	vld [tilespmem:s24+$0xFFFFFFF0];
	v30 =	vand.u32 $0x7F, v18;
	v31 =	vshll.u32 v18, $0x2;
	(xrf1) =	vunique.msk.u32 $0xffff, v18;
	v18 =	vor.u32 v19, v15;
	v19 =	vmovc v4  }
0x1f5: {  	v32 =	vcvt.s32.f32 v25;
	v15 =	vcvt.s32.f32 v21;
	(xrf1) =	vunique.msk.u32 $0xffff, v6;
	[tilespmem:v17+s18+$0x0] =	vst.idx.add.f32.msk vm1, v20;
	_, v17, vm1 =	vpop (xrf1)  }
0x1f6: {  	v21 =	vmovc v9;
	v20 =	vand.u32 $0xFFFFFE00, v31;
	v17 =	vcvt.s32.f32 v17;
	[tilespmem:v16+s18+$0x0] =	vst.idx.add.f32.msk vm2, v23;
	v16 =	vcvt.s32.f32 v22;
	v22 =	vmovc v12  }
0x1f7: {  	v25 =	vmovc v11;
	v9 =	vor.u32 v30, v20;
	v12 =	vshll.u32 v8, $0x2;
	(xrf1) =	vunique.msk.u32 $0xffff, v5;
	[tilespmem:v14+s18+$0x0] =	vst.idx.add.f32.msk vm3, v15  }
0x1f8: {  	v11 =	vshll.u32 v6, $0x2;
	v14 =	vand.u32 $0xFFFFFE00, v12;
	v12 =	vcvt.s32.f32 v28;
	[tilespmem:v3+s18+$0x0] =	vst.idx.add.f32.msk vm5, v32;
	v4 =	vmovc v26;
	v3 =	vmovc v9  }
0x1f9: {  	v20 =	vshll.u32 v27, $0x2;
	v26 =	vand.u32 $0xFFFFFE00, v11;
	v15 =	vmovc v5;
	v9 =	vshll.u32 v4, $0x2;
	[tilespmem:v24+s18+$0x0] =	vst.idx.add.f32.msk vm0, v16;
	v24 =	vmovc v8  }
0x1fa: {  	v5 =	vand.u32 $0xFFFFFE00, v20;
	v8 =	vshll.u32 v29, $0x2;
	v9 =	vand.u32 $0xFFFFFE00, v9;
	[tilespmem:v13+s18+$0x0] =	vst.idx.add.f32.msk vm4, v12  }
0x1fb: {  	v12 =	vand.u32 $0xFFFFFE00, v8;
	v8 =	vand.u32 $0x7F, v2;
	v2 =	vmov v27;
	_, v13, vm0 =	vpop (xrf1);
	[tilespmem:v18+s18+$0x0] =	vst.idx.add.f32.msk vm1, v17  }
0x1fc: {  	v27 =	vor.u32 v8, v7;
	v7 =	vmov v5;
	v11 =	vld [tilespmem:s24+$0x30]  }
.Ltmp18:
0x1fd: {  	v16 =	vand.u32 $0x7F, v1;
	v1 =	vmov v29;
	v5 =	vld [tilespmem:s24+$0xFFFFFFC0];
	(xrf1) =	vunique.msk.u32 $0xffff, v2;
	(pc) =	sbr.rel @p0 .LBB2_33-.Ltmp18, $4  }
0x1fe: {  	v16 =	vor.u32 v16, v22;
	v17 =	vand.u32 $0x7F, v19;
	v28 =	vcvt.s32.f32 v13;
	v8 =	vld [tilespmem:s24+$0x20];
	_, v20, vm1 =	vpop (xrf1)  }
0x1ff: {  	v19 =	vand.u32 $0x7F, v15;
	v17 =	vor.u32 v17, v21;
	v13 =	vand.u32 $0x7F, v6;
	v18 =	vld [tilespmem:s24+$0x10];
	_, v23, vm2 =	vpop (xrf1)  }
0x200: {  	v25 =	vand.u32 $0x7F, v25;
	v24 =	vand.u32 $0x7F, v24;
	v13 =	vor.u32 v13, v26;
	v6 =	vld [tilespmem:s24+$0x0];
	(xrf1) =	vunique.msk.u32 $0xffff, v4;
	_, v21, vm3 =	vpop (xrf1)  }
0x201: {  	v26 =	vand.u32 $0xFFFFFE00, v10;
	s24 =	sadd.s32 $0x200, s24;
	(xrf1) =	vunique.msk.u32 $0xffff, v1;
	[tilespmem:v27+s18+$0x0] =	vst.idx.add.f32.msk vm0, v28;
	v10 =	vshll.u32 v11, $0x2;
	_, v22, vm0 =	vpop (xrf1)  }
0x202: {  	(xrf1) =	vunique.msk.u32 $0xffff, v11  }
0x203: {  	(xrf1) =	vunique.msk.u32 $0xffff, v8  }
0x204: {  	(xrf1) =	vunique.msk.u32 $0xffff, v18  }
0x205: {  	(xrf1) =	vunique.msk.u32 $0xffff, v6  }
0x206: {  	(xrf1) =	vunique.msk.u32 $0xffff, v5  }
0x207: {  	v15 =	vshll.u32 v15, $0x2  }
0x208: {  	v14 =	vor.u32 v24, v14;
	v20 =	vcvt.s32.f32 v20;
	v23 =	vcvt.s32.f32 v23  }
0x209: {  	v38 =	vor.u32 v25, v26;
	v21 =	vcvt.s32.f32 v21;
	v43 =	vcvt.s32.f32 v22  }
0x20a: {  	_, v27, vm6 =	vpop (xrf1);
	v2 =	vand.u32 $0x7F, v2;
	v4 =	vand.u32 $0x7F, v4;
	v1 =	vand.u32 $0x7F, v1  }
0x20b: {  	v50 =	vand.u32 $0x7F, v11;
	v10 =	vand.u32 $0xFFFFFE00, v10;
	v53 =	vand.u32 $0x7F, v5;
	_, v39, vm5 =	vpop (xrf1)  }
0x20c: {  	v15 =	vand.u32 $0xFFFFFE00, v15;
	v27 =	vcvt.s32.f32 v27;
	v2 =	vor.u32 v2, v7;
	[tilespmem:v17+s18+$0x0] =	vst.idx.add.f32.msk vm1, v20;
	_, v40, vm4 =	vpop (xrf1)  }
0x20d: {  	v44 =	vshll.u32 v8, $0x2;
	v4 =	vor.u32 v4, v9;
	v15 =	vor.u32 v19, v15;
	[tilespmem:v16+s18+$0x0] =	vst.idx.add.f32.msk vm2, v23;
	_, v45, vm9 =	vpop (xrf1)  }
0x20e: {  	v1 =	vor.u32 v1, v12;
	v10 =	vor.u32 v50, v10;
	v56 =	vand.u32 $0x7F, v8;
	[tilespmem:v38+s18+$0x0] =	vst.idx.add.f32.msk vm3, v21;
	_, v23, vm2 =	vpop (xrf1)  }
0x20f: {  	v41 =	vand.u32 $0x7F, v18;
	v42 =	vshll.u32 v18, $0x2;
	v47 =	vcvt.s32.f32 v39;
	[tilespmem:v14+s18+$0x0] =	vst.idx.add.f32.msk vm0, v43;
	_, v48, vm10 =	vpop (xrf1)  }
0x210: {  	v20 =	vand.u32 $0xFFFFFE00, v44;
	v18 =	vand.u32 $0xFFFFFE00, v42;
	v19 =	vcvt.s32.f32 v40;
	[tilespmem:v3+s18+$0x0] =	vst.idx.add.f32.msk vm6, v27;
	_, v49, vm11 =	vpop (xrf1)  }
0x211: {  	v46 =	vshll.u32 v6, $0x2;
	v55 =	vand.u32 $0x7F, v6;
	[tilespmem:v13+s18+$0x0] =	vst.idx.add.f32.msk vm5, v47;
	v52 =	vcvt.s32.f32 v45;
	_, v51, vm12 =	vpop (xrf1)  }
0x212: {  	v58 =	vor.u32 v56, v20;
	v18 =	vor.u32 v41, v18;
	[tilespmem:v15+s18+$0x0] =	vst.idx.add.f32.msk vm4, v19;
	v57 =	vcvt.s32.f32 v23;
	_, v54, vm13 =	vpop (xrf1)  }
0x213: {  	v3 =	vand.u32 $0xFFFFFE00, v46;
	v7 =	vcvt.s32.f32 v48;
	[tilespmem:v2+s18+$0x0] =	vst.idx.add.f32.msk vm9, v52;
	v2 =	vshll.u32 v5, $0x2;
	_, v59, vm14 =	vpop (xrf1)  }
0x214: {  	v3 =	vor.u32 v55, v3;
	v60 =	vcvt.s32.f32 v49;
	v2 =	vand.u32 $0xFFFFFE00, v2;
	[tilespmem:v4+s18+$0x0] =	vst.idx.add.f32.msk vm2, v57;
	_, v61, vm15 =	vpop (xrf1)  }
0x215: {  	v2 =	vor.u32 v53, v2;
	[tilespmem:v1+s18+$0x0] =	vst.idx.add.f32.msk vm10, v7;
	v1 =	vcvt.s32.f32 v51  }
0x216: {  	v62 =	vcvt.s32.f32 v54;
	[tilespmem:v10+s18+$0x0] =	vst.idx.add.f32.msk vm11, v60  }
0x217: {  	v63 =	vcvt.s32.f32 v59;
	[tilespmem:v58+s18+$0x0] =	vst.idx.add.f32.msk vm12, v1  }
0x218: {  	v6 =	vcvt.s32.f32 v61;
	[tilespmem:v18+s18+$0x0] =	vst.idx.add.f32.msk vm13, v62  }
0x219: {  	[tilespmem:v3+s18+$0x0] =	vst.idx.add.f32.msk vm14, v63  }
0x21a: {  	s23 =	simm.s32 $0x4000;
	s24 =	simm.s32 $0xF70;
	s25 =	simm.s32 $0x3E00;
	[tilespmem:v2+s18+$0x0] =	vst.idx.add.f32.msk vm15, v6  }
.LBB2_35:
0x21b: {  	s26 =	sand.u32 $0x3FFFFE00, s25  }
0x21c: {  	s26 =	sadd.s32 s26, s23  }
0x21d: {  	v1 =	vld [tilespmem:s26+$0x0];
	_ =	sdelay $0x4  }
0x21e: {  	(xrf1) =	vunique.msk.u32 $0xffff, v1;
	_ =	sdelay $0xc  }
0x21f: {  	v2 =	vshll.u32 v1, $0x2  }
0x220: {  	s24 =	sadd.s32 $0x10, s24;
	v1 =	vand.u32 $0x7F, v1;
	v2 =	vand.u32 $0xFFFFFE00, v2;
	_, v3, vm0 =	vpop (xrf1)  }
0x221: {  	p0 =	slt.u32 s24, $0xFE0;
	v1 =	vor.u32 v1, v2  }
.Ltmp19:
0x222: {  	_ = 	snop;
	(pc) =	sbr.rel @p0 .LBB2_35-.Ltmp19, $3  }
0x223: {  	_ = 	snop  }
0x224: {  	v2 =	vcvt.s32.f32 v3;
	_ =	sdelay $0x1  }
0x225: {  	s25 =	sadd.s32 $0x40, s25;
	s23 =	sadd.s32 $0x10, s23;
	[tilespmem:v1+s18+$0x0] =	vst.idx.add.f32.msk vm0, v2  }
0x226: {  	v1 =	vld [tilespmem:$0x7E70];
	_ =	sdelay $0x4  }
0x227: {  	(xrf1) =	vunique.msk.u32 $0x7ff, v1;
	_ =	sdelay $0xc  }
0x228: {  	v2 =	vshll.u32 v1, $0x2  }
0x229: {  	v1 =	vand.u32 $0x7F, v1;
	v2 =	vand.u32 $0xFFFFFE00, v2;
	_, v3, vm0 =	vpop (xrf1)  }
0x22a: {  	v1 =	vor.u32 v1, v2;
	_ =	sdelay $0x2  }
0x22b: {  	v2 =	vcvt.s32.f32 v3;
	_ =	sdelay $0x1  }
0x22c: {  	s24 =	simm.s32 $0xC0F0;
	[tilespmem:v1+s18+$0x0] =	vst.idx.add.f32.msk vm0, v2  }
0x22d: {  	[tilespmem:s24+$0xFFFFFF90] =	vst v0  }
0x22e: {  	[tilespmem:s24+$0x0] =	vst v0  }
0x22f: {  	[tilespmem:s24+$0xFFFFFFF0] =	vst v0  }
0x230: {  	[tilespmem:s24+$0xFFFFFFE0] =	vst v0  }
0x231: {  	[tilespmem:s24+$0xFFFFFFD0] =	vst v0  }
0x232: {  	[tilespmem:s24+$0xFFFFFFC0] =	vst v0  }
0x233: {  	s25 =	simm.s32 $0x0;
	[tilespmem:s24+$0xFFFFFFB0] =	vst v0  }
.LBB2_37:
0x234: {  	s25 =	sadd.s32 $0x80, s25;
	[tilespmem:s24+$0xFFFFFFA0] =	vst v0;
	s24 =	sadd.s32 $0x200, s24;
	s23 =	simm.s32 $0x40F0  }
0x235: {  	[tilespmem:s24+$0xFFFFFF90] =	vst v0;
	p0 =	slt.u32 s25, $0xF80  }
0x236: {  	[tilespmem:s24+$0x0] =	vst v0  }
.Ltmp20:
0x237: {  	[tilespmem:s24+$0xFFFFFFF0] =	vst v0;
	(pc) =	sbr.rel @p0 .LBB2_37-.Ltmp20, $4  }
0x238: {  	[tilespmem:s24+$0xFFFFFFE0] =	vst v0  }
0x239: {  	[tilespmem:s24+$0xFFFFFFD0] =	vst v0  }
0x23a: {  	[tilespmem:s24+$0xFFFFFFC0] =	vst v0  }
0x23b: {  	[tilespmem:s24+$0xFFFFFFB0] =	vst v0  }
0x23c: {  	[tilespmem:s24+$0xFFFFFFA0] =	vst v0  }
0x23d: {  	v1 =	vld [tilespmem:s23+$0xFFFFFFC0]  }
0x23e: {  	v2 =	vld [tilespmem:s23+$0xFFFFFFB0]  }
0x23f: {  	v3 =	vld [tilespmem:s23+$0xFFFFFFA0]  }
0x240: {  	v4 =	vld [tilespmem:s23+$0xFFFFFF90]  }
0x241: {  	v6 =	vld [tilespmem:s23+$0xFFFFFFD0]  }
0x242: {  	v5 =	vld [tilespmem:s23+$0x0]  }
0x243: {  	v7 =	vld [tilespmem:s23+$0xFFFFFFE0];
	(xrf1) =	vunique.msk.u32 $0xffff, v1  }
0x244: {  	v11 =	vld [tilespmem:s23+$0xFFFFFFF0];
	(xrf1) =	vunique.msk.u32 $0xffff, v2  }
0x245: {  	(xrf1) =	vunique.msk.u32 $0xffff, v3  }
0x246: {  	v8 =	vshll.u32 v6, $0x2;
	(xrf1) =	vunique.msk.u32 $0xffff, v4  }
0x247: {  	v9 =	vshll.u32 v3, $0x2;
	v10 =	vshll.u32 v2, $0x2;
	v12 =	vshll.u32 v1, $0x2;
	(xrf1) =	vunique.msk.u32 $0xffff, v6  }
0x248: {  	v13 =	vshll.u32 v4, $0x2;
	v14 =	vand.u32 $0x7F, v1;
	v1 =	vand.u32 $0x7F, v4;
	(xrf1) =	vunique.msk.u32 $0xffff, v5  }
0x249: {  	v17 =	vand.u32 $0x7F, v11;
	v16 =	vand.u32 $0xFFFFFE00, v10;
	v2 =	vand.u32 $0x7F, v2;
	(xrf1) =	vunique.msk.u32 $0xffff, v7  }
0x24a: {  	v12 =	vand.u32 $0xFFFFFE00, v12;
	v8 =	vand.u32 $0xFFFFFE00, v8;
	v4 =	vand.u32 $0xFFFFFE00, v13;
	(xrf1) =	vunique.msk.u32 $0xffff, v11  }
0x24b: {  	v3 =	vand.u32 $0x7F, v3;
	v13 =	vand.u32 $0x7F, v5;
	v15 =	vor.u32 v4, v1  }
0x24c: {  	s31 =	simm.s32 $0x42F0;
	v1 =	vand.u32 $0xFFFFFE00, v9;
	v9 =	vshll.u32 v7, $0x2;
	v6 =	vand.u32 $0x7F, v6  }
0x24d: {  	v10 =	vld [tilespmem:s31+$0xFFFFFFA0];
	v1 =	vor.u32 v1, v3;
	v3 =	vshll.u32 v11, $0x2;
	v9 =	vand.u32 $0xFFFFFE00, v9  }
0x24e: {  	v4 =	vld [tilespmem:s31+$0xFFFFFFC0];
	v5 =	vshll.u32 v5, $0x2;
	v7 =	vand.u32 $0x7F, v7;
	v18 =	vand.u32 $0xFFFFFE00, v3  }
0x24f: {  	v3 =	vld [tilespmem:s31+$0xFFFFFFB0];
	v19 =	vor.u32 v18, v17;
	v18 =	vor.u32 v16, v2;
	v2 =	vor.u32 v9, v7  }
0x250: {  	v17 =	vand.u32 $0xFFFFFE00, v5;
	v7 =	vor.u32 v12, v14;
	v5 =	vor.u32 $0x80, v2  }
0x251: {  	v12 =	vld [tilespmem:s31+$0xFFFFFF90];
	v2 =	vor.u32 $0x80, v15;
	v15 =	vor.u32 $0x80, v7;
	v7 =	vor.u32 v8, v6;
	_, v9, vm4 =	vpop (xrf1)  }
0x252: {  	v16 =	vld [tilespmem:s31+$0xFFFFFFD0];
	v20 =	vor.u32 v17, v13;
	_, v14, vm2 =	vpop (xrf1)  }
0x253: {  	(xrf1) =	vunique.msk.u32 $0xffff, v4;
	v13 =	vcvt.s32.f32 v9;
	_, v9, vm0 =	vpop (xrf1);
	v11 =	vcvt.s32.f32 v14;
	v14 =	vor.u32 $0x80, v18;
	v18 =	vld [tilespmem:s31+$0x0]  }
0x254: {  	v1 =	vor.u32 $0x80, v1;
	v25 =	vshll.u32 v10, $0x2;
	v8 =	vor.u32 $0x80, v19;
	(xrf1) =	vunique.msk.u32 $0xffff, v3;
	_, v27, vm3 =	vpop (xrf1)  }
0x255: {  	v22 =	vld [tilespmem:s31+$0xFFFFFFE0];
	v21 =	vor.u32 $0x80, v7;
	v24 =	vshll.u32 v4, $0x2;
	v26 =	vshll.u32 v3, $0x2;
	(xrf1) =	vunique.msk.u32 $0xffff, v10;
	_, v7, vm5 =	vpop (xrf1)  }
0x256: {  	v6 =	vcvt.s32.f32 v9;
	(xrf1) =	vunique.msk.u32 $0xffff, v12;
	v9 =	vor.u32 $0x80, v20;
	v20 =	vld [tilespmem:s31+$0xFFFFFFF0];
	v23 =	vcvt.s32.f32 v7;
	_, v7, vm1 =	vpop (xrf1)  }
0x257: {  	s24 =	simm.s32 $0x44F0;
	s23 =	simm.s32 $0x80;
	v17 =	vshll.u32 v16, $0x2;
	(xrf1) =	vunique.msk.u32 $0xffff, v16;
	v19 =	vcvt.s32.f32 v27;
	v7 =	vcvt.s32.f32 v7;
	_, v27, vm6 =	vpop (xrf1)  }
.LBB2_39:
0x258: {  	s23 =	sadd.s32 $0x80, s23;
	v28 =	vshll.u32 v12, $0x2;
	v29 =	vand.u32 $0x7F, v4;
	v4 =	vld [tilespmem:s24+$0xFFFFFFC0];
	(xrf1) =	vunique.msk.u32 $0xffff, v18;
	v27 =	vcvt.s32.f32 v27;
	_, v30, vm7 =	vpop (xrf1)  }
0x259: {  	v32 =	vand.u32 $0x7F, v12;
	v33 =	vand.u32 $0x7F, v18;
	v34 =	vmovc v1;
	v35 =	vmovc v16;
	v31 =	vld [tilespmem:s24+$0xFFFFFFA0];
	p0 =	slt.u32 s23, $0xF00;
	v28 =	vand.u32 $0xFFFFFE00, v28  }
0x25a: {  	v1 =	vand.u32 $0xFFFFFE00, v25;
	v12 =	vld [tilespmem:s24+$0xFFFFFF90];
	v28 =	vor.u32 v28, v32;
	v16 =	vshll.u32 v22, $0x2;
	(xrf1) =	vunique.msk.u32 $0xffff, v22  }
0x25b: {  	v10 =	vand.u32 $0x7F, v10;
	v25 =	vand.u32 $0xFFFFFE00, v26;
	(xrf1) =	vunique.msk.u32 $0xffff, v20;
	[tilespmem:v21+s18+$0x0] =	vst.idx.add.f32.msk vm5, v23  }
0x25c: {  	v1 =	vor.u32 v1, v10;
	v22 =	vand.u32 $0x7F, v22;
	v21 =	vand.u32 $0x7F, v3;
	v3 =	vld [tilespmem:s24+$0xFFFFFFB0]  }
0x25d: {  	v1 =	vor.u32 $0x80, v1;
	v23 =	vand.u32 $0xFFFFFE00, v24;
	v32 =	vshll.u32 v20, $0x2;
	v26 =	vld [tilespmem:s24+$0x0]  }
0x25e: {  	v18 =	vshll.u32 v18, $0x2;
	v20 =	vand.u32 $0x7F, v20;
	v24 =	vand.u32 $0xFFFFFE00, v32;
	[tilespmem:v15+s18+$0x0] =	vst.idx.add.f32.msk vm4, v13;
	v10 =	vmovc v31  }
0x25f: {  	v20 =	vor.u32 v24, v20;
	v31 =	vand.u32 $0xFFFFFE00, v16;
	v15 =	vand.u32 $0xFFFFFE00, v18;
	[tilespmem:v5+s18+$0x0] =	vst.idx.add.f32.msk vm6, v27  }
0x260: {  	v18 =	vor.u32 v25, v21;
	v21 =	vcvt.s32.f32 v30;
	v5 =	vor.u32 v31, v22;
	[tilespmem:v14+s18+$0x0] =	vst.idx.add.f32.msk vm2, v11  }
0x261: {  	v24 =	vor.u32 v15, v33;
	v14 =	vor.u32 v23, v29;
	v5 =	vor.u32 $0x80, v5;
	v16 =	vld [tilespmem:s24+$0xFFFFFFD0];
	_, v13, vm4 =	vpop (xrf1)  }
0x262: {  	v15 =	vor.u32 $0x80, v14;
	v13 =	vcvt.s32.f32 v13;
	_, v11, vm2 =	vpop (xrf1);
	[tilespmem:v2+s18+$0x0] =	vst.idx.add.f32.msk vm3, v19;
	v2 =	vor.u32 $0x80, v28  }
0x263: {  	v17 =	vand.u32 $0xFFFFFE00, v17;
	v22 =	vand.u32 $0x7F, v35;
	v11 =	vcvt.s32.f32 v11;
	[tilespmem:v34+s18+$0x0] =	vst.idx.add.f32.msk vm0, v6;
	_, v6, vm0 =	vpop (xrf1)  }
.Ltmp21:
0x264: {  	v17 =	vor.u32 v17, v22;
	v14 =	vor.u32 $0x80, v18;
	(xrf1) =	vunique.msk.u32 $0xffff, v4;
	_, v19, vm3 =	vpop (xrf1);
	[tilespmem:v8+s18+$0x0] =	vst.idx.add.f32.msk vm7, v21;
	(pc) =	sbr.rel @p0 .LBB2_39-.Ltmp21, $4  }
0x265: {  	v6 =	vcvt.s32.f32 v6;
	v21 =	vor.u32 $0x80, v17;
	(xrf1) =	vunique.msk.u32 $0xffff, v3;
	_, v8, vm5 =	vpop (xrf1);
	[tilespmem:v9+s18+$0x0] =	vst.idx.add.f32.msk vm1, v7  }
0x266: {  	v17 =	vshll.u32 v16, $0x2;
	v22 =	vld [tilespmem:s24+$0xFFFFFFE0];
	(xrf1) =	vunique.msk.u32 $0xffff, v10;
	v23 =	vcvt.s32.f32 v8;
	v8 =	vor.u32 $0x80, v20;
	_, v7, vm1 =	vpop (xrf1)  }
0x267: {  	v25 =	vshll.u32 v10, $0x2;
	v18 =	vmovc v26;
	v9 =	vor.u32 $0x80, v24;
	v20 =	vld [tilespmem:s24+$0xFFFFFFF0];
	(xrf1) =	vunique.msk.u32 $0xffff, v12;
	v7 =	vcvt.s32.f32 v7  }
0x268: {  	v26 =	vshll.u32 v3, $0x2;
	v24 =	vshll.u32 v4, $0x2;
	v19 =	vcvt.s32.f32 v19;
	s24 =	sadd.s32 $0x200, s24;
	(xrf1) =	vunique.msk.u32 $0xffff, v16;
	_, v27, vm6 =	vpop (xrf1)  }
0x269: {  	_ = 	snop  }
0x26a: {  	(xrf1) =	vunique.msk.u32 $0xffff, v18  }
0x26b: {  	(xrf1) =	vunique.msk.u32 $0xffff, v22  }
0x26c: {  	(xrf1) =	vunique.msk.u32 $0xffff, v20;
	_ =	sdelay $0x1  }
0x26d: {  	v28 =	vshll.u32 v12, $0x2;
	v4 =	vand.u32 $0x7F, v4  }
0x26e: {  	v27 =	vcvt.s32.f32 v27;
	v38 =	vand.u32 $0x7F, v12;
	v30 =	vand.u32 $0x7F, v18  }
0x26f: {  	v25 =	vand.u32 $0xFFFFFE00, v25;
	v10 =	vand.u32 $0x7F, v10;
	v26 =	vand.u32 $0xFFFFFE00, v26  }
0x270: {  	v3 =	vand.u32 $0x7F, v3;
	v42 =	vand.u32 $0x7F, v16;
	v43 =	vand.u32 $0xFFFFFE00, v17  }
0x271: {  	_, v29, vm9 =	vpop (xrf1);
	[tilespmem:v21+s18+$0x0] =	vst.idx.add.f32.msk vm5, v23;
	v45 =	vand.u32 $0xFFFFFE00, v24;
	v55 =	vshll.u32 v18, $0x2;
	v28 =	vand.u32 $0xFFFFFE00, v28  }
0x272: {  	[tilespmem:v15+s18+$0x0] =	vst.idx.add.f32.msk vm4, v13;
	v13 =	vor.u32 v43, v42;
	v4 =	vor.u32 v45, v4;
	v51 =	vcvt.s32.f32 v29;
	_, v39, vm8 =	vpop (xrf1)  }
0x273: {  	[tilespmem:v14+s18+$0x0] =	vst.idx.add.f32.msk vm2, v11;
	v3 =	vor.u32 v26, v3;
	v57 =	vand.u32 $0xFFFFFE00, v55;
	v12 =	vor.u32 v28, v38;
	_, v32, vm7 =	vpop (xrf1)  }
0x274: {  	[tilespmem:v1+s18+$0x0] =	vst.idx.add.f32.msk vm0, v6;
	v31 =	vshll.u32 v22, $0x2;
	v40 =	vand.u32 $0x7F, v22;
	v4 =	vor.u32 $0x80, v4;
	_, v41, vm12 =	vpop (xrf1)  }
0x275: {  	[tilespmem:v9+s18+$0x0] =	vst.idx.add.f32.msk vm1, v7;
	v49 =	vor.u32 $0x80, v13;
	v3 =	vor.u32 $0x80, v3;
	v59 =	vor.u32 v57, v30;
	_, v44, vm13 =	vpop (xrf1)  }
0x276: {  	[tilespmem:v2+s18+$0x0] =	vst.idx.add.f32.msk vm3, v19;
	v46 =	vshll.u32 v20, $0x2;
	v48 =	vand.u32 $0xFFFFFE00, v31;
	v12 =	vor.u32 $0x80, v12;
	_, v47, vm14 =	vpop (xrf1)  }
0x277: {  	[tilespmem:v5+s18+$0x0] =	vst.idx.add.f32.msk vm6, v27;
	v1 =	vand.u32 $0x7F, v20;
	v61 =	vor.u32 $0x80, v59;
	v56 =	vcvt.s32.f32 v39;
	_, v11, vm2 =	vpop (xrf1)  }
0x278: {  	v50 =	vor.u32 v48, v40;
	v53 =	vand.u32 $0xFFFFFE00, v46;
	[tilespmem:v8+s18+$0x0] =	vst.idx.add.f32.msk vm9, v51;
	v60 =	vcvt.s32.f32 v32;
	_, v2, vm3 =	vpop (xrf1)  }
0x279: {  	v52 =	vor.u32 $0x80, v50;
	v1 =	vor.u32 v53, v1;
	v62 =	vcvt.s32.f32 v44;
	[tilespmem:v4+s18+$0x0] =	vst.idx.add.f32.msk vm8, v56;
	_, v58, vm15 =	vpop (xrf1)  }
0x27a: {  	v10 =	vor.u32 v25, v10;
	v1 =	vor.u32 $0x80, v1;
	v54 =	vcvt.s32.f32 v47;
	[tilespmem:v3+s18+$0x0] =	vst.idx.add.f32.msk vm7, v60  }
0x27b: {  	v10 =	vor.u32 $0x80, v10;
	v63 =	vcvt.s32.f32 v11;
	[tilespmem:v12+s18+$0x0] =	vst.idx.add.f32.msk vm13, v62  }
0x27c: {  	v2 =	vcvt.s32.f32 v2;
	[tilespmem:v49+s18+$0x0] =	vst.idx.add.f32.msk vm14, v54  }
0x27d: {  	v3 =	vcvt.s32.f32 v58;
	[tilespmem:v61+s18+$0x0] =	vst.idx.add.f32.msk vm2, v63  }
0x27e: {  	[tilespmem:v52+s18+$0x0] =	vst.idx.add.f32.msk vm3, v2;
	v2 =	vcvt.s32.f32 v41  }
0x27f: {  	[tilespmem:v1+s18+$0x0] =	vst.idx.add.f32.msk vm15, v3  }
0x280: {  	s23 =	simm.s32 $0x4080;
	s24 =	simm.s32 $0xF70;
	s25 =	simm.s32 $0x3E00;
	[tilespmem:v10+s18+$0x0] =	vst.idx.add.f32.msk vm12, v2  }
.LBB2_41:
0x281: {  	s26 =	sand.u32 $0x3FFFFE00, s25  }
0x282: {  	s26 =	sadd.s32 s26, s23  }
0x283: {  	v1 =	vld [tilespmem:s26+$0x0];
	_ =	sdelay $0x4  }
0x284: {  	(xrf1) =	vunique.msk.u32 $0xffff, v1;
	_ =	sdelay $0xb  }
0x285: {  	v2 =	vshll.u32 v1, $0x2  }
0x286: {  	v1 =	vand.u32 $0x7F, v1;
	v2 =	vand.u32 $0xFFFFFE00, v2  }
0x287: {  	s24 =	sadd.s32 $0x10, s24;
	v1 =	vor.u32 v2, v1;
	_, v3, vm0 =	vpop (xrf1)  }
0x288: {  	p0 =	slt.u32 s24, $0xFE0;
	v1 =	vor.u32 $0x80, v1  }
.Ltmp22:
0x289: {  	_ = 	snop;
	(pc) =	sbr.rel @p0 .LBB2_41-.Ltmp22, $3  }
0x28a: {  	_ = 	snop  }
0x28b: {  	v2 =	vcvt.s32.f32 v3;
	_ =	sdelay $0x1  }
0x28c: {  	s25 =	sadd.s32 $0x40, s25;
	s23 =	sadd.s32 $0x10, s23;
	[tilespmem:v1+s18+$0x0] =	vst.idx.add.f32.msk vm0, v2  }
0x28d: {  	v1 =	vld [tilespmem:$0x7EF0];
	_ =	sdelay $0x4  }
0x28e: {  	(xrf1) =	vunique.msk.u32 $0x7ff, v1;
	_ =	sdelay $0xb  }
0x28f: {  	v2 =	vshll.u32 v1, $0x2  }
0x290: {  	v1 =	vand.u32 $0x7F, v1;
	v2 =	vand.u32 $0xFFFFFE00, v2  }
0x291: {  	v1 =	vor.u32 v2, v1;
	_, v3, vm0 =	vpop (xrf1)  }
0x292: {  	v1 =	vor.u32 $0x80, v1;
	_ =	sdelay $0x2  }
0x293: {  	v2 =	vcvt.s32.f32 v3;
	_ =	sdelay $0x1  }
0x294: {  	s24 =	simm.s32 $0xC170;
	[tilespmem:v1+s18+$0x0] =	vst.idx.add.f32.msk vm0, v2  }
0x295: {  	[tilespmem:s24+$0xFFFFFF90] =	vst v0  }
0x296: {  	[tilespmem:s24+$0x0] =	vst v0  }
0x297: {  	[tilespmem:s24+$0xFFFFFFF0] =	vst v0  }
0x298: {  	[tilespmem:s24+$0xFFFFFFE0] =	vst v0  }
0x299: {  	[tilespmem:s24+$0xFFFFFFD0] =	vst v0  }
0x29a: {  	[tilespmem:s24+$0xFFFFFFC0] =	vst v0  }
0x29b: {  	s25 =	simm.s32 $0x0;
	[tilespmem:s24+$0xFFFFFFB0] =	vst v0  }
.LBB2_43:
0x29c: {  	s25 =	sadd.s32 $0x80, s25;
	[tilespmem:s24+$0xFFFFFFA0] =	vst v0;
	s24 =	sadd.s32 $0x200, s24;
	s23 =	simm.s32 $0x4170  }
0x29d: {  	[tilespmem:s24+$0xFFFFFF90] =	vst v0;
	p0 =	slt.u32 s25, $0xF80  }
0x29e: {  	[tilespmem:s24+$0x0] =	vst v0  }
.Ltmp23:
0x29f: {  	[tilespmem:s24+$0xFFFFFFF0] =	vst v0;
	(pc) =	sbr.rel @p0 .LBB2_43-.Ltmp23, $4  }
0x2a0: {  	[tilespmem:s24+$0xFFFFFFE0] =	vst v0  }
0x2a1: {  	[tilespmem:s24+$0xFFFFFFD0] =	vst v0  }
0x2a2: {  	[tilespmem:s24+$0xFFFFFFC0] =	vst v0  }
0x2a3: {  	[tilespmem:s24+$0xFFFFFFB0] =	vst v0  }
0x2a4: {  	[tilespmem:s24+$0xFFFFFFA0] =	vst v0  }
0x2a5: {  	v1 =	vld [tilespmem:s23+$0xFFFFFFC0]  }
0x2a6: {  	v2 =	vld [tilespmem:s23+$0xFFFFFFB0]  }
0x2a7: {  	v3 =	vld [tilespmem:s23+$0xFFFFFFA0]  }
0x2a8: {  	v4 =	vld [tilespmem:s23+$0xFFFFFF90]  }
0x2a9: {  	v6 =	vld [tilespmem:s23+$0xFFFFFFD0]  }
0x2aa: {  	v5 =	vld [tilespmem:s23+$0x0]  }
0x2ab: {  	v7 =	vld [tilespmem:s23+$0xFFFFFFE0];
	(xrf1) =	vunique.msk.u32 $0xffff, v1  }
0x2ac: {  	v11 =	vld [tilespmem:s23+$0xFFFFFFF0];
	(xrf1) =	vunique.msk.u32 $0xffff, v2  }
0x2ad: {  	(xrf1) =	vunique.msk.u32 $0xffff, v3  }
0x2ae: {  	v8 =	vshll.u32 v6, $0x2;
	(xrf1) =	vunique.msk.u32 $0xffff, v4  }
0x2af: {  	v9 =	vshll.u32 v3, $0x2;
	v10 =	vshll.u32 v2, $0x2;
	v12 =	vshll.u32 v1, $0x2;
	(xrf1) =	vunique.msk.u32 $0xffff, v6  }
0x2b0: {  	v13 =	vshll.u32 v4, $0x2;
	v14 =	vand.u32 $0x7F, v1;
	v1 =	vand.u32 $0x7F, v4;
	(xrf1) =	vunique.msk.u32 $0xffff, v5  }
0x2b1: {  	v17 =	vand.u32 $0x7F, v11;
	v16 =	vand.u32 $0xFFFFFE00, v10;
	v2 =	vand.u32 $0x7F, v2;
	(xrf1) =	vunique.msk.u32 $0xffff, v7  }
0x2b2: {  	v12 =	vand.u32 $0xFFFFFE00, v12;
	v8 =	vand.u32 $0xFFFFFE00, v8;
	v4 =	vand.u32 $0xFFFFFE00, v13;
	(xrf1) =	vunique.msk.u32 $0xffff, v11  }
0x2b3: {  	v3 =	vand.u32 $0x7F, v3;
	v13 =	vand.u32 $0x7F, v5;
	v15 =	vor.u32 v4, v1  }
0x2b4: {  	s31 =	simm.s32 $0x4370;
	v1 =	vand.u32 $0xFFFFFE00, v9;
	v9 =	vshll.u32 v7, $0x2;
	v6 =	vand.u32 $0x7F, v6  }
0x2b5: {  	v10 =	vld [tilespmem:s31+$0xFFFFFFA0];
	v1 =	vor.u32 v1, v3;
	v3 =	vshll.u32 v11, $0x2;
	v9 =	vand.u32 $0xFFFFFE00, v9  }
0x2b6: {  	v4 =	vld [tilespmem:s31+$0xFFFFFFC0];
	v5 =	vshll.u32 v5, $0x2;
	v7 =	vand.u32 $0x7F, v7;
	v18 =	vand.u32 $0xFFFFFE00, v3  }
0x2b7: {  	v3 =	vld [tilespmem:s31+$0xFFFFFFB0];
	v19 =	vor.u32 v18, v17;
	v18 =	vor.u32 v16, v2;
	v2 =	vor.u32 v9, v7  }
0x2b8: {  	v17 =	vand.u32 $0xFFFFFE00, v5;
	v7 =	vor.u32 v12, v14;
	v5 =	vor.u32 $0x100, v2  }
0x2b9: {  	v12 =	vld [tilespmem:s31+$0xFFFFFF90];
	v2 =	vor.u32 $0x100, v15;
	v15 =	vor.u32 $0x100, v7;
	v7 =	vor.u32 v8, v6;
	_, v9, vm4 =	vpop (xrf1)  }
0x2ba: {  	v16 =	vld [tilespmem:s31+$0xFFFFFFD0];
	v20 =	vor.u32 v17, v13;
	_, v14, vm2 =	vpop (xrf1)  }
0x2bb: {  	(xrf1) =	vunique.msk.u32 $0xffff, v4;
	v13 =	vcvt.s32.f32 v9;
	_, v9, vm0 =	vpop (xrf1);
	v11 =	vcvt.s32.f32 v14;
	v14 =	vor.u32 $0x100, v18;
	v18 =	vld [tilespmem:s31+$0x0]  }
0x2bc: {  	v1 =	vor.u32 $0x100, v1;
	v25 =	vshll.u32 v10, $0x2;
	v8 =	vor.u32 $0x100, v19;
	(xrf1) =	vunique.msk.u32 $0xffff, v3;
	_, v27, vm3 =	vpop (xrf1)  }
0x2bd: {  	v22 =	vld [tilespmem:s31+$0xFFFFFFE0];
	v21 =	vor.u32 $0x100, v7;
	v24 =	vshll.u32 v4, $0x2;
	v26 =	vshll.u32 v3, $0x2;
	(xrf1) =	vunique.msk.u32 $0xffff, v10;
	_, v7, vm5 =	vpop (xrf1)  }
0x2be: {  	v6 =	vcvt.s32.f32 v9;
	(xrf1) =	vunique.msk.u32 $0xffff, v12;
	v9 =	vor.u32 $0x100, v20;
	v20 =	vld [tilespmem:s31+$0xFFFFFFF0];
	v23 =	vcvt.s32.f32 v7;
	_, v7, vm1 =	vpop (xrf1)  }
0x2bf: {  	s24 =	simm.s32 $0x4570;
	s23 =	simm.s32 $0x80;
	v17 =	vshll.u32 v16, $0x2;
	(xrf1) =	vunique.msk.u32 $0xffff, v16;
	v19 =	vcvt.s32.f32 v27;
	v7 =	vcvt.s32.f32 v7;
	_, v27, vm6 =	vpop (xrf1)  }
.LBB2_45:
0x2c0: {  	s23 =	sadd.s32 $0x80, s23;
	v28 =	vshll.u32 v12, $0x2;
	v29 =	vand.u32 $0x7F, v4;
	v4 =	vld [tilespmem:s24+$0xFFFFFFC0];
	(xrf1) =	vunique.msk.u32 $0xffff, v18;
	v27 =	vcvt.s32.f32 v27;
	_, v30, vm7 =	vpop (xrf1)  }
0x2c1: {  	v32 =	vand.u32 $0x7F, v12;
	v33 =	vand.u32 $0x7F, v18;
	v34 =	vmovc v1;
	v35 =	vmovc v16;
	v31 =	vld [tilespmem:s24+$0xFFFFFFA0];
	p0 =	slt.u32 s23, $0xF00;
	v28 =	vand.u32 $0xFFFFFE00, v28  }
0x2c2: {  	v1 =	vand.u32 $0xFFFFFE00, v25;
	v12 =	vld [tilespmem:s24+$0xFFFFFF90];
	v28 =	vor.u32 v28, v32;
	v16 =	vshll.u32 v22, $0x2;
	(xrf1) =	vunique.msk.u32 $0xffff, v22  }
0x2c3: {  	v10 =	vand.u32 $0x7F, v10;
	v25 =	vand.u32 $0xFFFFFE00, v26;
	(xrf1) =	vunique.msk.u32 $0xffff, v20;
	[tilespmem:v21+s18+$0x0] =	vst.idx.add.f32.msk vm5, v23  }
0x2c4: {  	v1 =	vor.u32 v1, v10;
	v22 =	vand.u32 $0x7F, v22;
	v21 =	vand.u32 $0x7F, v3;
	v3 =	vld [tilespmem:s24+$0xFFFFFFB0]  }
0x2c5: {  	v1 =	vor.u32 $0x100, v1;
	v23 =	vand.u32 $0xFFFFFE00, v24;
	v32 =	vshll.u32 v20, $0x2;
	v26 =	vld [tilespmem:s24+$0x0]  }
0x2c6: {  	v18 =	vshll.u32 v18, $0x2;
	v20 =	vand.u32 $0x7F, v20;
	v24 =	vand.u32 $0xFFFFFE00, v32;
	[tilespmem:v15+s18+$0x0] =	vst.idx.add.f32.msk vm4, v13;
	v10 =	vmovc v31  }
0x2c7: {  	v20 =	vor.u32 v24, v20;
	v31 =	vand.u32 $0xFFFFFE00, v16;
	v15 =	vand.u32 $0xFFFFFE00, v18;
	[tilespmem:v5+s18+$0x0] =	vst.idx.add.f32.msk vm6, v27  }
0x2c8: {  	v18 =	vor.u32 v25, v21;
	v21 =	vcvt.s32.f32 v30;
	v5 =	vor.u32 v31, v22;
	[tilespmem:v14+s18+$0x0] =	vst.idx.add.f32.msk vm2, v11  }
0x2c9: {  	v24 =	vor.u32 v15, v33;
	v14 =	vor.u32 v23, v29;
	v5 =	vor.u32 $0x100, v5;
	v16 =	vld [tilespmem:s24+$0xFFFFFFD0];
	_, v13, vm4 =	vpop (xrf1)  }
0x2ca: {  	v15 =	vor.u32 $0x100, v14;
	v13 =	vcvt.s32.f32 v13;
	_, v11, vm2 =	vpop (xrf1);
	[tilespmem:v2+s18+$0x0] =	vst.idx.add.f32.msk vm3, v19;
	v2 =	vor.u32 $0x100, v28  }
0x2cb: {  	v17 =	vand.u32 $0xFFFFFE00, v17;
	v22 =	vand.u32 $0x7F, v35;
	v11 =	vcvt.s32.f32 v11;
	[tilespmem:v34+s18+$0x0] =	vst.idx.add.f32.msk vm0, v6;
	_, v6, vm0 =	vpop (xrf1)  }
.Ltmp24:
0x2cc: {  	v17 =	vor.u32 v17, v22;
	v14 =	vor.u32 $0x100, v18;
	(xrf1) =	vunique.msk.u32 $0xffff, v4;
	_, v19, vm3 =	vpop (xrf1);
	[tilespmem:v8+s18+$0x0] =	vst.idx.add.f32.msk vm7, v21;
	(pc) =	sbr.rel @p0 .LBB2_45-.Ltmp24, $4  }
0x2cd: {  	v6 =	vcvt.s32.f32 v6;
	v21 =	vor.u32 $0x100, v17;
	(xrf1) =	vunique.msk.u32 $0xffff, v3;
	_, v8, vm5 =	vpop (xrf1);
	[tilespmem:v9+s18+$0x0] =	vst.idx.add.f32.msk vm1, v7  }
0x2ce: {  	v17 =	vshll.u32 v16, $0x2;
	v22 =	vld [tilespmem:s24+$0xFFFFFFE0];
	(xrf1) =	vunique.msk.u32 $0xffff, v10;
	v23 =	vcvt.s32.f32 v8;
	v8 =	vor.u32 $0x100, v20;
	_, v7, vm1 =	vpop (xrf1)  }
0x2cf: {  	v25 =	vshll.u32 v10, $0x2;
	v18 =	vmovc v26;
	v9 =	vor.u32 $0x100, v24;
	v20 =	vld [tilespmem:s24+$0xFFFFFFF0];
	(xrf1) =	vunique.msk.u32 $0xffff, v12;
	v7 =	vcvt.s32.f32 v7  }
0x2d0: {  	v26 =	vshll.u32 v3, $0x2;
	v24 =	vshll.u32 v4, $0x2;
	v19 =	vcvt.s32.f32 v19;
	s24 =	sadd.s32 $0x200, s24;
	(xrf1) =	vunique.msk.u32 $0xffff, v16;
	_, v27, vm6 =	vpop (xrf1)  }
0x2d1: {  	_ = 	snop  }
0x2d2: {  	(xrf1) =	vunique.msk.u32 $0xffff, v18  }
0x2d3: {  	(xrf1) =	vunique.msk.u32 $0xffff, v22  }
0x2d4: {  	(xrf1) =	vunique.msk.u32 $0xffff, v20;
	_ =	sdelay $0x1  }
0x2d5: {  	v28 =	vshll.u32 v12, $0x2;
	v4 =	vand.u32 $0x7F, v4  }
0x2d6: {  	v27 =	vcvt.s32.f32 v27;
	v38 =	vand.u32 $0x7F, v12;
	v30 =	vand.u32 $0x7F, v18  }
0x2d7: {  	v25 =	vand.u32 $0xFFFFFE00, v25;
	v10 =	vand.u32 $0x7F, v10;
	v26 =	vand.u32 $0xFFFFFE00, v26  }
0x2d8: {  	v3 =	vand.u32 $0x7F, v3;
	v42 =	vand.u32 $0x7F, v16;
	v43 =	vand.u32 $0xFFFFFE00, v17  }
0x2d9: {  	_, v29, vm9 =	vpop (xrf1);
	[tilespmem:v21+s18+$0x0] =	vst.idx.add.f32.msk vm5, v23;
	v45 =	vand.u32 $0xFFFFFE00, v24;
	v55 =	vshll.u32 v18, $0x2;
	v28 =	vand.u32 $0xFFFFFE00, v28  }
0x2da: {  	[tilespmem:v15+s18+$0x0] =	vst.idx.add.f32.msk vm4, v13;
	v13 =	vor.u32 v43, v42;
	v4 =	vor.u32 v45, v4;
	v51 =	vcvt.s32.f32 v29;
	_, v39, vm8 =	vpop (xrf1)  }
0x2db: {  	[tilespmem:v14+s18+$0x0] =	vst.idx.add.f32.msk vm2, v11;
	v3 =	vor.u32 v26, v3;
	v57 =	vand.u32 $0xFFFFFE00, v55;
	v12 =	vor.u32 v28, v38;
	_, v32, vm7 =	vpop (xrf1)  }
0x2dc: {  	[tilespmem:v1+s18+$0x0] =	vst.idx.add.f32.msk vm0, v6;
	v31 =	vshll.u32 v22, $0x2;
	v40 =	vand.u32 $0x7F, v22;
	v4 =	vor.u32 $0x100, v4;
	_, v41, vm12 =	vpop (xrf1)  }
0x2dd: {  	[tilespmem:v9+s18+$0x0] =	vst.idx.add.f32.msk vm1, v7;
	v49 =	vor.u32 $0x100, v13;
	v3 =	vor.u32 $0x100, v3;
	v59 =	vor.u32 v57, v30;
	_, v44, vm13 =	vpop (xrf1)  }
0x2de: {  	[tilespmem:v2+s18+$0x0] =	vst.idx.add.f32.msk vm3, v19;
	v46 =	vshll.u32 v20, $0x2;
	v48 =	vand.u32 $0xFFFFFE00, v31;
	v12 =	vor.u32 $0x100, v12;
	_, v47, vm14 =	vpop (xrf1)  }
0x2df: {  	[tilespmem:v5+s18+$0x0] =	vst.idx.add.f32.msk vm6, v27;
	v1 =	vand.u32 $0x7F, v20;
	v61 =	vor.u32 $0x100, v59;
	v56 =	vcvt.s32.f32 v39;
	_, v11, vm2 =	vpop (xrf1)  }
0x2e0: {  	v50 =	vor.u32 v48, v40;
	v53 =	vand.u32 $0xFFFFFE00, v46;
	[tilespmem:v8+s18+$0x0] =	vst.idx.add.f32.msk vm9, v51;
	v60 =	vcvt.s32.f32 v32;
	_, v2, vm3 =	vpop (xrf1)  }
0x2e1: {  	v52 =	vor.u32 $0x100, v50;
	v1 =	vor.u32 v53, v1;
	v62 =	vcvt.s32.f32 v44;
	[tilespmem:v4+s18+$0x0] =	vst.idx.add.f32.msk vm8, v56;
	_, v58, vm15 =	vpop (xrf1)  }
0x2e2: {  	v10 =	vor.u32 v25, v10;
	v1 =	vor.u32 $0x100, v1;
	v54 =	vcvt.s32.f32 v47;
	[tilespmem:v3+s18+$0x0] =	vst.idx.add.f32.msk vm7, v60  }
0x2e3: {  	v10 =	vor.u32 $0x100, v10;
	v63 =	vcvt.s32.f32 v11;
	[tilespmem:v12+s18+$0x0] =	vst.idx.add.f32.msk vm13, v62  }
0x2e4: {  	v2 =	vcvt.s32.f32 v2;
	[tilespmem:v49+s18+$0x0] =	vst.idx.add.f32.msk vm14, v54  }
0x2e5: {  	v3 =	vcvt.s32.f32 v58;
	[tilespmem:v61+s18+$0x0] =	vst.idx.add.f32.msk vm2, v63  }
0x2e6: {  	[tilespmem:v52+s18+$0x0] =	vst.idx.add.f32.msk vm3, v2;
	v2 =	vcvt.s32.f32 v41  }
0x2e7: {  	[tilespmem:v1+s18+$0x0] =	vst.idx.add.f32.msk vm15, v3  }
0x2e8: {  	s23 =	simm.s32 $0x4100;
	s24 =	simm.s32 $0xF70;
	s25 =	simm.s32 $0x3E00;
	[tilespmem:v10+s18+$0x0] =	vst.idx.add.f32.msk vm12, v2  }
.LBB2_47:
0x2e9: {  	s26 =	sand.u32 $0x3FFFFE00, s25  }
0x2ea: {  	s26 =	sadd.s32 s26, s23  }
0x2eb: {  	v1 =	vld [tilespmem:s26+$0x0];
	_ =	sdelay $0x4  }
0x2ec: {  	(xrf1) =	vunique.msk.u32 $0xffff, v1;
	_ =	sdelay $0xb  }
0x2ed: {  	v2 =	vshll.u32 v1, $0x2  }
0x2ee: {  	v1 =	vand.u32 $0x7F, v1;
	v2 =	vand.u32 $0xFFFFFE00, v2  }
0x2ef: {  	s24 =	sadd.s32 $0x10, s24;
	v1 =	vor.u32 v2, v1;
	_, v3, vm0 =	vpop (xrf1)  }
0x2f0: {  	p0 =	slt.u32 s24, $0xFE0;
	v1 =	vor.u32 $0x100, v1  }
.Ltmp25:
0x2f1: {  	_ = 	snop;
	(pc) =	sbr.rel @p0 .LBB2_47-.Ltmp25, $3  }
0x2f2: {  	_ = 	snop  }
0x2f3: {  	v2 =	vcvt.s32.f32 v3;
	_ =	sdelay $0x1  }
0x2f4: {  	s25 =	sadd.s32 $0x40, s25;
	s23 =	sadd.s32 $0x10, s23;
	[tilespmem:v1+s18+$0x0] =	vst.idx.add.f32.msk vm0, v2  }
0x2f5: {  	v1 =	vld [tilespmem:$0x7F70];
	_ =	sdelay $0x4  }
0x2f6: {  	(xrf1) =	vunique.msk.u32 $0x7ff, v1;
	_ =	sdelay $0xb  }
0x2f7: {  	v2 =	vshll.u32 v1, $0x2  }
0x2f8: {  	v1 =	vand.u32 $0x7F, v1;
	v2 =	vand.u32 $0xFFFFFE00, v2  }
0x2f9: {  	v1 =	vor.u32 v2, v1;
	_, v3, vm0 =	vpop (xrf1)  }
0x2fa: {  	v1 =	vor.u32 $0x100, v1;
	_ =	sdelay $0x2  }
0x2fb: {  	v2 =	vcvt.s32.f32 v3;
	_ =	sdelay $0x1  }
0x2fc: {  	s24 =	simm.s32 $0xC1F0;
	[tilespmem:v1+s18+$0x0] =	vst.idx.add.f32.msk vm0, v2  }
0x2fd: {  	[tilespmem:s24+$0xFFFFFF90] =	vst v0  }
0x2fe: {  	[tilespmem:s24+$0x0] =	vst v0  }
0x2ff: {  	[tilespmem:s24+$0xFFFFFFF0] =	vst v0  }
0x300: {  	[tilespmem:s24+$0xFFFFFFE0] =	vst v0  }
0x301: {  	[tilespmem:s24+$0xFFFFFFD0] =	vst v0  }
0x302: {  	[tilespmem:s24+$0xFFFFFFC0] =	vst v0  }
0x303: {  	s25 =	simm.s32 $0x0;
	[tilespmem:s24+$0xFFFFFFB0] =	vst v0  }
.LBB2_49:
0x304: {  	s25 =	sadd.s32 $0x80, s25;
	[tilespmem:s24+$0xFFFFFFA0] =	vst v0;
	s24 =	sadd.s32 $0x200, s24;
	s23 =	simm.s32 $0x41F0  }
0x305: {  	[tilespmem:s24+$0xFFFFFF90] =	vst v0;
	p0 =	slt.u32 s25, $0xF80  }
0x306: {  	[tilespmem:s24+$0x0] =	vst v0  }
.Ltmp26:
0x307: {  	[tilespmem:s24+$0xFFFFFFF0] =	vst v0;
	(pc) =	sbr.rel @p0 .LBB2_49-.Ltmp26, $4  }
0x308: {  	[tilespmem:s24+$0xFFFFFFE0] =	vst v0  }
0x309: {  	[tilespmem:s24+$0xFFFFFFD0] =	vst v0  }
0x30a: {  	[tilespmem:s24+$0xFFFFFFC0] =	vst v0  }
0x30b: {  	[tilespmem:s24+$0xFFFFFFB0] =	vst v0  }
0x30c: {  	[tilespmem:s24+$0xFFFFFFA0] =	vst v0  }
0x30d: {  	v1 =	vld [tilespmem:s23+$0xFFFFFFC0]  }
0x30e: {  	v2 =	vld [tilespmem:s23+$0xFFFFFFB0]  }
0x30f: {  	v3 =	vld [tilespmem:s23+$0xFFFFFFA0]  }
0x310: {  	v4 =	vld [tilespmem:s23+$0xFFFFFF90]  }
0x311: {  	v6 =	vld [tilespmem:s23+$0xFFFFFFD0]  }
0x312: {  	v5 =	vld [tilespmem:s23+$0x0]  }
0x313: {  	v7 =	vld [tilespmem:s23+$0xFFFFFFE0];
	(xrf1) =	vunique.msk.u32 $0xffff, v1  }
0x314: {  	v11 =	vld [tilespmem:s23+$0xFFFFFFF0];
	(xrf1) =	vunique.msk.u32 $0xffff, v2  }
0x315: {  	(xrf1) =	vunique.msk.u32 $0xffff, v3  }
0x316: {  	v8 =	vshll.u32 v6, $0x2;
	(xrf1) =	vunique.msk.u32 $0xffff, v4  }
0x317: {  	v9 =	vshll.u32 v3, $0x2;
	v10 =	vshll.u32 v2, $0x2;
	v12 =	vshll.u32 v1, $0x2;
	(xrf1) =	vunique.msk.u32 $0xffff, v6  }
0x318: {  	v13 =	vshll.u32 v4, $0x2;
	v14 =	vand.u32 $0x7F, v1;
	v1 =	vand.u32 $0x7F, v4;
	(xrf1) =	vunique.msk.u32 $0xffff, v5  }
0x319: {  	v17 =	vand.u32 $0x7F, v11;
	v16 =	vand.u32 $0xFFFFFE00, v10;
	v2 =	vand.u32 $0x7F, v2;
	(xrf1) =	vunique.msk.u32 $0xffff, v7  }
0x31a: {  	v12 =	vand.u32 $0xFFFFFE00, v12;
	v8 =	vand.u32 $0xFFFFFE00, v8;
	v4 =	vand.u32 $0xFFFFFE00, v13;
	(xrf1) =	vunique.msk.u32 $0xffff, v11  }
0x31b: {  	v3 =	vand.u32 $0x7F, v3;
	v13 =	vand.u32 $0x7F, v5;
	v15 =	vor.u32 v4, v1  }
0x31c: {  	s31 =	simm.s32 $0x43F0;
	v1 =	vand.u32 $0xFFFFFE00, v9;
	v9 =	vshll.u32 v7, $0x2;
	v6 =	vand.u32 $0x7F, v6  }
0x31d: {  	v10 =	vld [tilespmem:s31+$0xFFFFFFA0];
	v1 =	vor.u32 v1, v3;
	v3 =	vshll.u32 v11, $0x2;
	v9 =	vand.u32 $0xFFFFFE00, v9  }
0x31e: {  	v4 =	vld [tilespmem:s31+$0xFFFFFFC0];
	v5 =	vshll.u32 v5, $0x2;
	v7 =	vand.u32 $0x7F, v7;
	v18 =	vand.u32 $0xFFFFFE00, v3  }
0x31f: {  	v3 =	vld [tilespmem:s31+$0xFFFFFFB0];
	v19 =	vor.u32 v18, v17;
	v18 =	vor.u32 v16, v2;
	v2 =	vor.u32 v9, v7  }
0x320: {  	v17 =	vand.u32 $0xFFFFFE00, v5;
	v7 =	vor.u32 v12, v14;
	v5 =	vor.u32 $0x180, v2  }
0x321: {  	v12 =	vld [tilespmem:s31+$0xFFFFFF90];
	v2 =	vor.u32 $0x180, v15;
	v15 =	vor.u32 $0x180, v7;
	v7 =	vor.u32 v8, v6;
	_, v9, vm4 =	vpop (xrf1)  }
0x322: {  	v16 =	vld [tilespmem:s31+$0xFFFFFFD0];
	v20 =	vor.u32 v17, v13;
	_, v14, vm2 =	vpop (xrf1)  }
0x323: {  	(xrf1) =	vunique.msk.u32 $0xffff, v4;
	v13 =	vcvt.s32.f32 v9;
	_, v9, vm0 =	vpop (xrf1);
	v11 =	vcvt.s32.f32 v14;
	v14 =	vor.u32 $0x180, v18;
	v18 =	vld [tilespmem:s31+$0x0]  }
0x324: {  	v1 =	vor.u32 $0x180, v1;
	v25 =	vshll.u32 v10, $0x2;
	v8 =	vor.u32 $0x180, v19;
	(xrf1) =	vunique.msk.u32 $0xffff, v3;
	_, v27, vm3 =	vpop (xrf1)  }
0x325: {  	v22 =	vld [tilespmem:s31+$0xFFFFFFE0];
	v21 =	vor.u32 $0x180, v7;
	v24 =	vshll.u32 v4, $0x2;
	v26 =	vshll.u32 v3, $0x2;
	(xrf1) =	vunique.msk.u32 $0xffff, v10;
	_, v7, vm5 =	vpop (xrf1)  }
0x326: {  	v6 =	vcvt.s32.f32 v9;
	(xrf1) =	vunique.msk.u32 $0xffff, v12;
	v9 =	vor.u32 $0x180, v20;
	v20 =	vld [tilespmem:s31+$0xFFFFFFF0];
	v23 =	vcvt.s32.f32 v7;
	_, v7, vm1 =	vpop (xrf1)  }
0x327: {  	s24 =	simm.s32 $0x45F0;
	s23 =	simm.s32 $0x80;
	v17 =	vshll.u32 v16, $0x2;
	(xrf1) =	vunique.msk.u32 $0xffff, v16;
	v19 =	vcvt.s32.f32 v27;
	v7 =	vcvt.s32.f32 v7;
	_, v27, vm6 =	vpop (xrf1)  }
.LBB2_51:
0x328: {  	s23 =	sadd.s32 $0x80, s23;
	v28 =	vshll.u32 v12, $0x2;
	v29 =	vand.u32 $0x7F, v4;
	v4 =	vld [tilespmem:s24+$0xFFFFFFC0];
	(xrf1) =	vunique.msk.u32 $0xffff, v18;
	v27 =	vcvt.s32.f32 v27;
	_, v30, vm7 =	vpop (xrf1)  }
0x329: {  	v32 =	vand.u32 $0x7F, v12;
	v33 =	vand.u32 $0x7F, v18;
	v34 =	vmovc v1;
	v35 =	vmovc v16;
	v31 =	vld [tilespmem:s24+$0xFFFFFFA0];
	p0 =	slt.u32 s23, $0xF00;
	v28 =	vand.u32 $0xFFFFFE00, v28  }
0x32a: {  	v1 =	vand.u32 $0xFFFFFE00, v25;
	v12 =	vld [tilespmem:s24+$0xFFFFFF90];
	v28 =	vor.u32 v28, v32;
	v16 =	vshll.u32 v22, $0x2;
	(xrf1) =	vunique.msk.u32 $0xffff, v22  }
0x32b: {  	v10 =	vand.u32 $0x7F, v10;
	v25 =	vand.u32 $0xFFFFFE00, v26;
	(xrf1) =	vunique.msk.u32 $0xffff, v20;
	[tilespmem:v21+s18+$0x0] =	vst.idx.add.f32.msk vm5, v23  }
0x32c: {  	v1 =	vor.u32 v1, v10;
	v22 =	vand.u32 $0x7F, v22;
	v21 =	vand.u32 $0x7F, v3;
	v3 =	vld [tilespmem:s24+$0xFFFFFFB0]  }
0x32d: {  	v1 =	vor.u32 $0x180, v1;
	v23 =	vand.u32 $0xFFFFFE00, v24;
	v32 =	vshll.u32 v20, $0x2;
	v26 =	vld [tilespmem:s24+$0x0]  }
0x32e: {  	v18 =	vshll.u32 v18, $0x2;
	v20 =	vand.u32 $0x7F, v20;
	v24 =	vand.u32 $0xFFFFFE00, v32;
	[tilespmem:v15+s18+$0x0] =	vst.idx.add.f32.msk vm4, v13;
	v10 =	vmovc v31  }
0x32f: {  	v20 =	vor.u32 v24, v20;
	v31 =	vand.u32 $0xFFFFFE00, v16;
	v15 =	vand.u32 $0xFFFFFE00, v18;
	[tilespmem:v5+s18+$0x0] =	vst.idx.add.f32.msk vm6, v27  }
0x330: {  	v18 =	vor.u32 v25, v21;
	v21 =	vcvt.s32.f32 v30;
	v5 =	vor.u32 v31, v22;
	[tilespmem:v14+s18+$0x0] =	vst.idx.add.f32.msk vm2, v11  }
0x331: {  	v24 =	vor.u32 v15, v33;
	v14 =	vor.u32 v23, v29;
	v5 =	vor.u32 $0x180, v5;
	v16 =	vld [tilespmem:s24+$0xFFFFFFD0];
	_, v13, vm4 =	vpop (xrf1)  }
0x332: {  	v15 =	vor.u32 $0x180, v14;
	v13 =	vcvt.s32.f32 v13;
	_, v11, vm2 =	vpop (xrf1);
	[tilespmem:v2+s18+$0x0] =	vst.idx.add.f32.msk vm3, v19;
	v2 =	vor.u32 $0x180, v28  }
0x333: {  	v17 =	vand.u32 $0xFFFFFE00, v17;
	v22 =	vand.u32 $0x7F, v35;
	v11 =	vcvt.s32.f32 v11;
	[tilespmem:v34+s18+$0x0] =	vst.idx.add.f32.msk vm0, v6;
	_, v6, vm0 =	vpop (xrf1)  }
.Ltmp27:
0x334: {  	v17 =	vor.u32 v17, v22;
	v14 =	vor.u32 $0x180, v18;
	(xrf1) =	vunique.msk.u32 $0xffff, v4;
	_, v19, vm3 =	vpop (xrf1);
	[tilespmem:v8+s18+$0x0] =	vst.idx.add.f32.msk vm7, v21;
	(pc) =	sbr.rel @p0 .LBB2_51-.Ltmp27, $4  }
0x335: {  	v6 =	vcvt.s32.f32 v6;
	v21 =	vor.u32 $0x180, v17;
	(xrf1) =	vunique.msk.u32 $0xffff, v3;
	_, v8, vm5 =	vpop (xrf1);
	[tilespmem:v9+s18+$0x0] =	vst.idx.add.f32.msk vm1, v7  }
0x336: {  	v17 =	vshll.u32 v16, $0x2;
	v22 =	vld [tilespmem:s24+$0xFFFFFFE0];
	(xrf1) =	vunique.msk.u32 $0xffff, v10;
	v23 =	vcvt.s32.f32 v8;
	v8 =	vor.u32 $0x180, v20;
	_, v7, vm1 =	vpop (xrf1)  }
0x337: {  	v25 =	vshll.u32 v10, $0x2;
	v18 =	vmovc v26;
	v9 =	vor.u32 $0x180, v24;
	v20 =	vld [tilespmem:s24+$0xFFFFFFF0];
	(xrf1) =	vunique.msk.u32 $0xffff, v12;
	v7 =	vcvt.s32.f32 v7  }
0x338: {  	v26 =	vshll.u32 v3, $0x2;
	v24 =	vshll.u32 v4, $0x2;
	v19 =	vcvt.s32.f32 v19;
	s24 =	sadd.s32 $0x200, s24;
	(xrf1) =	vunique.msk.u32 $0xffff, v16;
	_, v27, vm6 =	vpop (xrf1)  }
0x339: {  	_ = 	snop  }
0x33a: {  	(xrf1) =	vunique.msk.u32 $0xffff, v18  }
0x33b: {  	(xrf1) =	vunique.msk.u32 $0xffff, v22  }
0x33c: {  	(xrf1) =	vunique.msk.u32 $0xffff, v20;
	_ =	sdelay $0x1  }
0x33d: {  	v28 =	vshll.u32 v12, $0x2;
	v4 =	vand.u32 $0x7F, v4  }
0x33e: {  	v27 =	vcvt.s32.f32 v27;
	v38 =	vand.u32 $0x7F, v12;
	v30 =	vand.u32 $0x7F, v18  }
0x33f: {  	v25 =	vand.u32 $0xFFFFFE00, v25;
	v10 =	vand.u32 $0x7F, v10;
	v26 =	vand.u32 $0xFFFFFE00, v26  }
0x340: {  	v3 =	vand.u32 $0x7F, v3;
	v42 =	vand.u32 $0x7F, v16;
	v43 =	vand.u32 $0xFFFFFE00, v17  }
0x341: {  	_, v29, vm9 =	vpop (xrf1);
	[tilespmem:v21+s18+$0x0] =	vst.idx.add.f32.msk vm5, v23;
	v45 =	vand.u32 $0xFFFFFE00, v24;
	v55 =	vshll.u32 v18, $0x2;
	v28 =	vand.u32 $0xFFFFFE00, v28  }
0x342: {  	[tilespmem:v15+s18+$0x0] =	vst.idx.add.f32.msk vm4, v13;
	v13 =	vor.u32 v43, v42;
	v4 =	vor.u32 v45, v4;
	v51 =	vcvt.s32.f32 v29;
	_, v39, vm8 =	vpop (xrf1)  }
0x343: {  	[tilespmem:v14+s18+$0x0] =	vst.idx.add.f32.msk vm2, v11;
	v3 =	vor.u32 v26, v3;
	v57 =	vand.u32 $0xFFFFFE00, v55;
	v12 =	vor.u32 v28, v38;
	_, v32, vm7 =	vpop (xrf1)  }
0x344: {  	[tilespmem:v1+s18+$0x0] =	vst.idx.add.f32.msk vm0, v6;
	v31 =	vshll.u32 v22, $0x2;
	v40 =	vand.u32 $0x7F, v22;
	v4 =	vor.u32 $0x180, v4;
	_, v41, vm12 =	vpop (xrf1)  }
0x345: {  	[tilespmem:v9+s18+$0x0] =	vst.idx.add.f32.msk vm1, v7;
	v49 =	vor.u32 $0x180, v13;
	v3 =	vor.u32 $0x180, v3;
	v59 =	vor.u32 v57, v30;
	_, v44, vm13 =	vpop (xrf1)  }
0x346: {  	[tilespmem:v2+s18+$0x0] =	vst.idx.add.f32.msk vm3, v19;
	v46 =	vshll.u32 v20, $0x2;
	v48 =	vand.u32 $0xFFFFFE00, v31;
	v12 =	vor.u32 $0x180, v12;
	_, v47, vm14 =	vpop (xrf1)  }
0x347: {  	[tilespmem:v5+s18+$0x0] =	vst.idx.add.f32.msk vm6, v27;
	v1 =	vand.u32 $0x7F, v20;
	v61 =	vor.u32 $0x180, v59;
	v56 =	vcvt.s32.f32 v39;
	_, v11, vm2 =	vpop (xrf1)  }
0x348: {  	v50 =	vor.u32 v48, v40;
	v53 =	vand.u32 $0xFFFFFE00, v46;
	[tilespmem:v8+s18+$0x0] =	vst.idx.add.f32.msk vm9, v51;
	v60 =	vcvt.s32.f32 v32;
	_, v2, vm3 =	vpop (xrf1)  }
0x349: {  	v52 =	vor.u32 $0x180, v50;
	v1 =	vor.u32 v53, v1;
	v62 =	vcvt.s32.f32 v44;
	[tilespmem:v4+s18+$0x0] =	vst.idx.add.f32.msk vm8, v56;
	_, v58, vm15 =	vpop (xrf1)  }
0x34a: {  	v10 =	vor.u32 v25, v10;
	v1 =	vor.u32 $0x180, v1;
	v54 =	vcvt.s32.f32 v47;
	[tilespmem:v3+s18+$0x0] =	vst.idx.add.f32.msk vm7, v60  }
0x34b: {  	v10 =	vor.u32 $0x180, v10;
	v63 =	vcvt.s32.f32 v11;
	[tilespmem:v12+s18+$0x0] =	vst.idx.add.f32.msk vm13, v62  }
0x34c: {  	v2 =	vcvt.s32.f32 v2;
	[tilespmem:v49+s18+$0x0] =	vst.idx.add.f32.msk vm14, v54  }
0x34d: {  	v3 =	vcvt.s32.f32 v58;
	[tilespmem:v61+s18+$0x0] =	vst.idx.add.f32.msk vm2, v63  }
0x34e: {  	[tilespmem:v52+s18+$0x0] =	vst.idx.add.f32.msk vm3, v2;
	v2 =	vcvt.s32.f32 v41  }
0x34f: {  	[tilespmem:v1+s18+$0x0] =	vst.idx.add.f32.msk vm15, v3  }
0x350: {  	s23 =	simm.s32 $0x4180;
	s24 =	simm.s32 $0xF70;
	s25 =	simm.s32 $0x3E00;
	[tilespmem:v10+s18+$0x0] =	vst.idx.add.f32.msk vm12, v2  }
.LBB2_53:
0x351: {  	s26 =	sand.u32 $0x3FFFFE00, s25  }
0x352: {  	s26 =	sadd.s32 s26, s23  }
0x353: {  	v1 =	vld [tilespmem:s26+$0x0];
	_ =	sdelay $0x4  }
0x354: {  	(xrf1) =	vunique.msk.u32 $0xffff, v1;
	_ =	sdelay $0xb  }
0x355: {  	v2 =	vshll.u32 v1, $0x2  }
0x356: {  	v1 =	vand.u32 $0x7F, v1;
	v2 =	vand.u32 $0xFFFFFE00, v2  }
0x357: {  	s24 =	sadd.s32 $0x10, s24;
	v1 =	vor.u32 v2, v1;
	_, v3, vm0 =	vpop (xrf1)  }
0x358: {  	p0 =	slt.u32 s24, $0xFE0;
	v1 =	vor.u32 $0x180, v1  }
.Ltmp28:
0x359: {  	_ = 	snop;
	(pc) =	sbr.rel @p0 .LBB2_53-.Ltmp28, $3  }
0x35a: {  	_ = 	snop  }
0x35b: {  	v2 =	vcvt.s32.f32 v3;
	_ =	sdelay $0x1  }
0x35c: {  	s25 =	sadd.s32 $0x40, s25;
	s23 =	sadd.s32 $0x10, s23;
	[tilespmem:v1+s18+$0x0] =	vst.idx.add.f32.msk vm0, v2  }
0x35d: {  	v1 =	vld [tilespmem:$0x7FF0];
	_ =	sdelay $0x4  }
0x35e: {  	(xrf1) =	vunique.msk.u32 $0x7ff, v1;
	_ =	sdelay $0xb  }
0x35f: {  	v2 =	vshll.u32 v1, $0x2  }
0x360: {  	v1 =	vand.u32 $0x7F, v1;
	v2 =	vand.u32 $0xFFFFFE00, v2  }
0x361: {  	v1 =	vor.u32 v2, v1;
	_, v3, vm0 =	vpop (xrf1)  }
0x362: {  	v1 =	vor.u32 $0x180, v1  }
0x363: {  	p0 =	seq.s32 s21, $0x3  }
.Ltmp29:
0x364: {  	_ = 	snop;
	(pc) =	sbr.rel @p0 .LBB2_56-.Ltmp29, $3  }
0x365: {  	v2 =	vcvt.s32.f32 v3;
	_ =	sdelay $0x1  }
0x366: {  	s23 =	sadd.s32 s22, s8;
	[tilespmem:v1+s18+$0x0] =	vst.idx.add.f32.msk vm0, v2  }
0x367: {  	[hbm4b:s23+s11] =	stream.strided.scatter [tilespmem:s18], [sflag:$0x4], $0x4000, s12, s11, $0x38;
	[tilespmem:$0x10000] =	vst v63  }
.Ltmp30:
0x368: {  	(pc) =	sbr.rel .LBB2_2-.Ltmp30, $3  }
0x369: {  	_ =	sdelay $0x1  }
0x36a: {  	s22 =	sadd.s32 s22, s9;
	s21 =	sadd.s32 $0x1, s21  }
0x36b: {  	[tilespmem:s13], [sflag:$0x2] =	stream.strided.gather [hbm4b:s22+s11], $0x4000, s12, s11, $0x38;
	[tilespmem:$0x10000] =	vst v63  }
.LBB2_57:
0x36c: {  	_ =	sfence.sel $0x180000  }
0x36d: {  	[bflag:$0x0] =	sbarrier.arrive $0xFFFF  }
0x36e: {  	p0 =	sne.s32 s1, $0x0;
	_ =	strace $0x90000047  }
0x36f: {  	s0 =	sadd.s32 @!p0 $0x100000, s0;
	[bflag:$0x2] =	sbarrier.arrive $0xFFFF  }
0x370: {  	[sflag:s0] =	ssyncadd.tile.s32 @!p0 $0x1;
	_ =	shalt  }
.Lfunc_end2:
_tile_overlayer_lowered:
.L_overlay_start_2:
0x371: {  	(tag) =	ssettag $0x2  }
0x372: {  	s0 =	rddreg [dreg:$0x0];
	s2 =	stileid.u32  }
0x373: {  	s1 =	rddreg [dreg:$0x1];
	p0 =	sne.s32 s2, $0x0  }
0x374: {  	s3 =	rddreg [dreg:$0x2];
	[bflag:$0x3] =	sbarrier.arrive $0xFFFF;
	s2 =	simm.s32 @!p0 $0x1C05  }
0x375: {  	[timem:s3], [sflag:s2] =	dma.local @!p0 [hbm:s0], s1  }
0x376: {  	s0 =	simm.s32 @!p0 $0x5  }
0x377: {  	_ =	swait.ge @!p0 [sflag:s0], s1  }
0x378: {  	s1 =	ssub.s32 @!p0 $0x0, s1;
	[sflag:s0] =	ssyncset.done @!p0 $0x0  }
0x379: {  	[sflag:s0] =	ssyncadd.s32 @!p0 s1  }
0x37a: {  	[bflag:$0x3] =	sbarrier.arrive $0xFFFF  }
0x37b: {  	_ =	shalt  }

</sc_bundles>
